<compile_context>
chip_gen: v7x
topology: tpu7x:2x2x1
jax: 0.10.2.dev20260603
libtpu: 0.0.44.dev20260713+nightly
codegen_flags: <defaults>
</compile_context>

<pallas_src>
import functools

import jax
import jax.numpy as jnp
from jax import lax
from jax.experimental import pallas as pl
from jax.experimental.pallas import tpu as pltpu
from jax.experimental.pallas import tpu_sc as plsc

C = 128
NTILES = 32
SUB = 16


def _sc_pass(xh, relh, src4, dst4, et4, n_pad, chunks, with_deg):
    rel_rows = relh.shape[0]
    """One SparseCore segment-sum pass over a 64-wide column slice.

    xh: (N, 64) f32, relh: (R, 64) f32, src4/dst4/et4: (2, 16, chunks, C)
    with chunks even.  Returns s_part (2, n_pad, 64) [and deg_part
    (2, n_pad, 16) if with_deg].
    """
    Dh = xh.shape[1]
    rows_d = n_pad // SUB
    zfull = rows_d // C
    ztail = rows_d - zfull * C

    mesh = plsc.VectorSubcoreMesh(core_axis_name="c", subcore_axis_name="s")

    out_type = [jax.ShapeDtypeStruct((2, n_pad, Dh), jnp.float32)]
    scratch = [
        pltpu.VMEM((chunks, C), jnp.int32),
        pltpu.VMEM((chunks, C), jnp.int32),
        pltpu.VMEM((chunks, C), jnp.int32),
        pltpu.VMEM((C, Dh), jnp.float32),
        pltpu.VMEM((C, Dh), jnp.float32),
        pltpu.VMEM_SHARED((n_pad, Dh), jnp.float32),
        pltpu.SemaphoreType.DMA,
        pltpu.SemaphoreType.DMA,
    ]
    if with_deg:
        out_type.append(jax.ShapeDtypeStruct((2, n_pad, SUB), jnp.float32))
        scratch += [
            pltpu.VMEM((C, SUB), jnp.float32),
            pltpu.VMEM((C, SUB), jnp.float32),
            pltpu.VMEM_SHARED((n_pad, SUB), jnp.float32),
        ]

    @functools.partial(
        pl.kernel, out_type=out_type, mesh=mesh, scratch_types=scratch,
        compiler_params=pltpu.CompilerParams(use_tc_tiling_on_sc=False))
    def k(x_hbm, rel_hbm, src_hbm, dst_hbm, et_hbm, *rest):
        if with_deg:
            (out_s, out_d, src_v, dst_v, et_v, ga, ra, s_acc,
             sem0, sem1, obuf, dz, d_acc) = rest
        else:
            (out_s, src_v, dst_v, et_v, ga, ra, s_acc,
             sem0, sem1) = rest
        cid = lax.axis_index("c")
        sid = lax.axis_index("s")

        zero16 = jnp.zeros((SUB,), jnp.float32)
        one0 = jnp.where(lax.iota(jnp.int32, SUB) == 0, 1.0, 0.0)

        def init_row(i, _):
            for j in range(Dh // SUB):
                ga[i, pl.ds(j * SUB, SUB)] = zero16
            if with_deg:
                obuf[i, pl.ds(0, SUB)] = one0
                dz[i, pl.ds(0, SUB)] = zero16
            return 0

        lax.fori_loop(0, C, init_row, 0)

        base = sid * rows_d
        for kk in range(zfull):
            pltpu.sync_copy(ga, s_acc.at[pl.ds(base + kk * C, C)])
            if with_deg:
                pltpu.sync_copy(dz, d_acc.at[pl.ds(base + kk * C, C)])
        if ztail:
            pltpu.sync_copy(ga.at[pl.ds(0, ztail)],
                            s_acc.at[pl.ds(base + zfull * C, ztail)])
            if with_deg:
                pltpu.sync_copy(dz.at[pl.ds(0, ztail)],
                                d_acc.at[pl.ds(base + zfull * C, ztail)])
        plsc.subcore_barrier()

        pltpu.sync_copy(src_hbm.at[cid, sid], src_v)
        pltpu.sync_copy(dst_hbm.at[cid, sid], dst_v)
        pltpu.sync_copy(et_hbm.at[cid, sid], et_v)

        def chunk(j, _):
            g1 = pltpu.async_copy(x_hbm.at[src_v.at[j]], ga, sem0)
            g2 = pltpu.async_copy(rel_hbm.at[et_v.at[j]], ra, sem1)
            g1.wait()
            g2.wait()
            pltpu.sync_copy(ga, s_acc.at[dst_v.at[j]], add=True)
            pltpu.sync_copy(ra, s_acc.at[dst_v.at[j]], add=True)
            if with_deg:
                pltpu.sync_copy(obuf, d_acc.at[dst_v.at[j]], add=True)
            return 0

        lax.fori_loop(0, chunks, chunk, 0)
        plsc.subcore_barrier()

        pltpu.sync_copy(s_acc.at[pl.ds(base, rows_d)],
                        out_s.at[cid, pl.ds(base, rows_d)])
        if with_deg:
            pltpu.sync_copy(d_acc.at[pl.ds(base, rows_d)],
                            out_d.at[cid, pl.ds(base, rows_d)])

    return k(xh, relh, src4, dst4, et4)


def _tc_combine(x, sa, sb, dg, wn, wl, we, blk):
    n, D = x.shape
    Dh = D // 2

    def body(x_ref, sa0, sa1, sb0, sb1, d0, d1, wn_ref, wl_ref, we_ref,
             o_ref):
        d = d0[0] + d1[0]
        deg = jnp.sum(d, axis=1, keepdims=True)
        has = deg > 0.0
        norm = jnp.where(has, 1.0 / jnp.maximum(deg, 1.0), 0.0)
        slo = sa0[0] + sa1[0]
        shi = sb0[0] + sb1[0]
        wnm = wn_ref[...]
        agg = (jnp.dot(slo, wnm[:Dh], preferred_element_type=jnp.float32)
               + jnp.dot(shi, wnm[Dh:], preferred_element_type=jnp.float32))
        xb = x_ref[...]
        lm = jnp.where(
            has,
            jnp.dot(xb, wl_ref[...], preferred_element_type=jnp.float32),
            jnp.dot(xb, we_ref[...], preferred_element_type=jnp.float32),
        )
        o_ref[...] = jnp.maximum(agg * norm + lm, 0.0)

    grid = (n // blk,)
    row_spec = pl.BlockSpec((blk, D), lambda i: (i, 0))
    s0_spec = pl.BlockSpec((1, blk, Dh), lambda i: (0, i, 0))
    s1_spec = pl.BlockSpec((1, blk, Dh), lambda i: (1, i, 0))
    d0_spec = pl.BlockSpec((1, blk, SUB), lambda i: (0, i, 0))
    d1_spec = pl.BlockSpec((1, blk, SUB), lambda i: (1, i, 0))
    w_spec = pl.BlockSpec((D, D), lambda i: (0, 0))
    return pl.pallas_call(
        body,
        grid=grid,
        in_specs=[row_spec, s0_spec, s1_spec, s0_spec, s1_spec,
                  d0_spec, d1_spec, w_spec, w_spec, w_spec],
        out_specs=row_spec,
        out_shape=jax.ShapeDtypeStruct((n, D), jnp.float32),
    )(x, sa, sa, sb, sb, dg, dg, wn, wl, we)


@jax.jit
def kernel(x, edge_index, edge_type, rel_emb, weight_neighbor, loop_weight,
           evolve_loop_weight):
    n, D = x.shape
    e = edge_index.shape[1]
    Dh = D // 2

    per_tile_chunks = -(-e // (NTILES * C))
    e_pad = NTILES * per_tile_chunks * C
    n_pad = -(-(n + 1) // (8 * SUB)) * (8 * SUB)

    xa = x[:, :Dh]
    xb = x[:, Dh:]
    r = rel_emb.shape[0]
    r_pad = -(-r // (16 * SUB)) * (16 * SUB)
    relp = jnp.concatenate(
        [rel_emb, jnp.zeros((r_pad - r, D), rel_emb.dtype)])
    ra = relp[:, :Dh]
    rb = relp[:, Dh:]

    src = jnp.concatenate(
        [edge_index[0], jnp.zeros((e_pad - e,), jnp.int32)])
    dst = jnp.concatenate(
        [edge_index[1], jnp.full((e_pad - e,), n, jnp.int32)])
    et = jnp.concatenate(
        [edge_type, jnp.zeros((e_pad - e,), jnp.int32)])
    shp = (2, SUB, per_tile_chunks, C)
    src4 = src.reshape(shp)
    dst4 = dst.reshape(shp)
    et4 = et.reshape(shp)

    sa, dg = _sc_pass(xa, ra, src4, dst4, et4, n_pad, per_tile_chunks,
                      with_deg=True)
    sb, = _sc_pass(xb, rb, src4, dst4, et4, n_pad, per_tile_chunks,
                   with_deg=False)

    return _tc_combine(
        x, sa, sb, dg,
        weight_neighbor, loop_weight, evolve_loop_weight, blk=1000)

# --- scband reference (transcript-rebuilt; emitter-appended) ---
"""Pipeline reference for scband-dqgcn-89472758710806 (READ-ONLY COPY).

The authoritative reference and input builder live on the scoring server;
editing this copy changes nothing except your own understanding.
"""

import jax, jax.numpy as jnp
import numpy as np

N, E, D, R = 10000, 320000, 128, 230

def setup_inputs(seed: int = 0) -> dict:
    key = jax.random.key(seed)
    ks = jax.random.split(key, 8)
    x = jax.random.normal(ks[0], (N, D), dtype=jnp.float32)
    edge_index = jax.random.randint(ks[1], (2, E), 0, N, dtype=jnp.int32)
    edge_type = jax.random.randint(ks[2], (E,), 0, R, dtype=jnp.int32)
    rel_emb = jax.random.normal(ks[3], (R, D), dtype=jnp.float32) * 0.1
    weight_neighbor = jax.random.normal(ks[4], (D, D), dtype=jnp.float32) * (1.0 / np.sqrt(D))
    loop_weight = jax.random.normal(ks[5], (D, D), dtype=jnp.float32) * (1.0 / np.sqrt(D))
    evolve_loop_weight = jax.random.normal(ks[6], (D, D), dtype=jnp.float32) * (1.0 / np.sqrt(D))
    return {
        'x': x,
        'edge_index': edge_index,
        'edge_type': edge_type,
        'rel_emb': rel_emb,
        'weight_neighbor': weight_neighbor,
        'loop_weight': loop_weight,
        'evolve_loop_weight': evolve_loop_weight,
    }

def reference(x, edge_index, edge_type, rel_emb, weight_neighbor, loop_weight, evolve_loop_weight):
    # UnionRGCNLayer.forward semantics (DGL graph replaced by edge_index COO).
    src = edge_index[0]
    dst = edge_index[1]
    n = x.shape[0]
    # in-degree and norm (DGL stores ndata['norm'] = 1/in_degree, 0 for isolated nodes)
    deg = jnp.zeros((n,), dtype=x.dtype).at[dst].add(1.0)
    norm = jnp.where(deg > 0, 1.0 / jnp.maximum(deg, 1.0), 0.0)
    # self-loop message: evolve_loop_weight everywhere, loop_weight where in_degree > 0
    loop_evolve = jnp.dot(x, evolve_loop_weight)
    loop_main = jnp.dot(x, loop_weight)
    has_in = (deg > 0)
    loop_message = jnp.where(has_in[:, None], loop_main, loop_evolve)
    # msg_func: msg = (h_src + rel_emb[type]) @ weight_neighbor
    relation = jnp.take(rel_emb, edge_type, axis=0)
    node_src = jnp.take(x, src, axis=0)
    msg = jnp.dot(node_src + relation, weight_neighbor)
    # fn.sum aggregation into dst, then apply_func: h = h * norm
    agg = jnp.zeros_like(x).at[dst].add(msg)
    h = agg * norm[:, None]
    node_repr = h + loop_message
    node_repr = jax.nn.relu(node_repr)
    return node_repr

if __name__ == "__main__":
    import jax
    _d = setup_inputs()
    print(jax.jit(kernel)(*tuple(_d.values())))

</pallas_src>

<mosaic_0001>
#map = affine_map<(d0, d1) -> (0, 0)>
#map1 = affine_map<(d0, d1) -> (0, 0, 0, 0)>
#map2 = affine_map<(d0, d1) -> (0, 0, 0)>
module attributes {stable_mosaic.version = 14 : i64} {
  func.func @k(%arg0: i32, %arg1: i32, %arg2: memref<10000x64xf32, #tpu.memory_space<hbm>>, %arg3: memref<256x64xf32, #tpu.memory_space<hbm>>, %arg4: memref<2x16x79x128xi32, #tpu.memory_space<hbm>>, %arg5: memref<2x16x79x128xi32, #tpu.memory_space<hbm>>, %arg6: memref<2x16x79x128xi32, #tpu.memory_space<hbm>>, %arg7: memref<2x10112x64xf32, #tpu.memory_space<hbm>>, %arg8: memref<2x10112x16xf32, #tpu.memory_space<hbm>>, %arg9: memref<79x128xi32, #tpu.memory_space<vmem>>, %arg10: memref<79x128xi32, #tpu.memory_space<vmem>>, %arg11: memref<79x128xi32, #tpu.memory_space<vmem>>, %arg12: memref<128x64xf32, #tpu.memory_space<vmem>>, %arg13: memref<128x64xf32, #tpu.memory_space<vmem>>, %arg14: memref<10112x64xf32, #tpu.memory_space<vmem_shared>>, %arg15: memref<!tpu.dma_semaphore, #tpu.memory_space<semaphore_mem>>, %arg16: memref<!tpu.dma_semaphore, #tpu.memory_space<semaphore_mem>>, %arg17: memref<128x16xf32, #tpu.memory_space<vmem>>, %arg18: memref<128x16xf32, #tpu.memory_space<vmem>>, %arg19: memref<10112x16xf32, #tpu.memory_space<vmem_shared>>) attributes {dimension_semantics = [#tpu.dimension_semantics<core_parallel>, #tpu.dimension_semantics<subcore_parallel>], iteration_bounds = array<i64: 2, 16>, scalar_prefetch = 0 : i64, scratch_operands = 11 : i64, tpu.core_type = #tpu.core_type<sc_vector_subcore>, window_params = [{transform_indices = #map}, {transform_indices = #map}, {transform_indices = #map1}, {transform_indices = #map1}, {transform_indices = #map1}, {transform_indices = #map2}, {transform_indices = #map2}]} {
    %broadcast_in_dim3A = arith.constant 0.000000e+00 : f32
    %broadcast_in_dim3A_0 = vector.broadcast %broadcast_in_dim3A : f32 to vector<16xf32>
    %iota3A = tpu.iota {dimensions = array<i32: 0>} : vector<16xi32>
    %eq3A = arith.constant 0 : i32
    %eq3A_1 = vector.broadcast %eq3A : i32 to vector<16xi32>
    %eq3A_2 = arith.cmpi eq, %iota3A, %eq3A_1 : vector<16xi32>
    %jit3A = arith.constant 1.000000e+00 : f32
    %jit3A_3 = arith.constant 0.000000e+00 : f32
    %broadcast_in_dim3A_4 = vector.broadcast %jit3A : f32 to vector<16xf32>
    %broadcast_in_dim3A_5 = vector.broadcast %jit3A_3 : f32 to vector<16xf32>
    %select_n3A = arith.select %eq3A_2, %broadcast_in_dim3A_4, %broadcast_in_dim3A_5 : vector<16xi1>, vector<16xf32>
    %scan3A = arith.constant 0 : i32
    %scan3A_6 = arith.constant 0 : i32
    %scan3A_7 = arith.constant 128 : i32
    %scan3A_8 = arith.addi %scan3A_6, %scan3A_7 : i32
    %scan3A_9 = arith.constant 1 : i32
    %scan3A_10 = scf.for %scan3A_40 = %scan3A_6 to %scan3A_8 step %scan3A_9 iter_args(%scan3A_41 = %scan3A) -> (i32)  : i32 {
      %swap3A = arith.index_cast %scan3A_40 : i32 to index
      %swap3A_42 = arith.constant 0 : index
      %swap3A_43 = tpu.vector_load %arg12[%swap3A, %swap3A_42] {strides = array<i32>} : memref<128x64xf32, #tpu.memory_space<vmem>>, vector<1x16xf32>,
      %swap3A_44 = vector.shape_cast %swap3A_43 : vector<1x16xf32> to vector<16xf32>
      %swap3A_45 = vector.shape_cast %broadcast_in_dim3A_0 : vector<16xf32> to vector<1x16xf32>
      tpu.vector_store %arg12[%swap3A, %swap3A_42], %swap3A_45 {strides = array<i32>} : memref<128x64xf32, #tpu.memory_space<vmem>>, vector<1x16xf32>,
      %swap3A_46 = arith.index_cast %scan3A_40 : i32 to index
      %swap3A_47 = arith.constant 16 : index
      %swap3A_48 = tpu.vector_load %arg12[%swap3A_46, %swap3A_47] {strides = array<i32>} : memref<128x64xf32, #tpu.memory_space<vmem>>, vector<1x16xf32>,
      %swap3A_49 = vector.shape_cast %swap3A_48 : vector<1x16xf32> to vector<16xf32>
      %swap3A_50 = vector.shape_cast %broadcast_in_dim3A_0 : vector<16xf32> to vector<1x16xf32>
      tpu.vector_store %arg12[%swap3A_46, %swap3A_47], %swap3A_50 {strides = array<i32>} : memref<128x64xf32, #tpu.memory_space<vmem>>, vector<1x16xf32>,
      %swap3A_51 = arith.index_cast %scan3A_40 : i32 to index
      %swap3A_52 = arith.constant 32 : index
      %swap3A_53 = tpu.vector_load %arg12[%swap3A_51, %swap3A_52] {strides = array<i32>} : memref<128x64xf32, #tpu.memory_space<vmem>>, vector<1x16xf32>,
      %swap3A_54 = vector.shape_cast %swap3A_53 : vector<1x16xf32> to vector<16xf32>
      %swap3A_55 = vector.shape_cast %broadcast_in_dim3A_0 : vector<16xf32> to vector<1x16xf32>
      tpu.vector_store %arg12[%swap3A_51, %swap3A_52], %swap3A_55 {strides = array<i32>} : memref<128x64xf32, #tpu.memory_space<vmem>>, vector<1x16xf32>,
      %swap3A_56 = arith.index_cast %scan3A_40 : i32 to index
      %swap3A_57 = arith.constant 48 : index
      %swap3A_58 = tpu.vector_load %arg12[%swap3A_56, %swap3A_57] {strides = array<i32>} : memref<128x64xf32, #tpu.memory_space<vmem>>, vector<1x16xf32>,
      %swap3A_59 = vector.shape_cast %swap3A_58 : vector<1x16xf32> to vector<16xf32>
      %swap3A_60 = vector.shape_cast %broadcast_in_dim3A_0 : vector<16xf32> to vector<1x16xf32>
      tpu.vector_store %arg12[%swap3A_56, %swap3A_57], %swap3A_60 {strides = array<i32>} : memref<128x64xf32, #tpu.memory_space<vmem>>, vector<1x16xf32>,
      %swap3A_61 = arith.index_cast %scan3A_40 : i32 to index
      %swap3A_62 = arith.constant 0 : index
      %swap3A_63 = tpu.vector_load %arg17[%swap3A_61, %swap3A_62] {strides = array<i32>} : memref<128x16xf32, #tpu.memory_space<vmem>>, vector<1x16xf32>,
      %swap3A_64 = vector.shape_cast %swap3A_63 : vector<1x16xf32> to vector<16xf32>
      %swap3A_65 = vector.shape_cast %select_n3A : vector<16xf32> to vector<1x16xf32>
      tpu.vector_store %arg17[%swap3A_61, %swap3A_62], %swap3A_65 {strides = array<i32>} : memref<128x16xf32, #tpu.memory_space<vmem>>, vector<1x16xf32>,
      %swap3A_66 = arith.index_cast %scan3A_40 : i32 to index
      %swap3A_67 = arith.constant 0 : index
      %swap3A_68 = tpu.vector_load %arg18[%swap3A_66, %swap3A_67] {strides = array<i32>} : memref<128x16xf32, #tpu.memory_space<vmem>>, vector<1x16xf32>,
      %swap3A_69 = vector.shape_cast %swap3A_68 : vector<1x16xf32> to vector<16xf32>
      %swap3A_70 = vector.shape_cast %broadcast_in_dim3A_0 : vector<16xf32> to vector<1x16xf32>
      tpu.vector_store %arg18[%swap3A_66, %swap3A_67], %swap3A_70 {strides = array<i32>} : memref<128x16xf32, #tpu.memory_space<vmem>>, vector<1x16xf32>,
      %scan3A_71 = arith.constant 0 : i32
      scf.yield %scan3A_71 : i32
    }
    %scan3A_11 = arith.constant 128 : i32
    %mul3A = arith.constant 632 : i32
    %mul3A_12 = arith.muli %arg1, %mul3A : i32
    %add3A = arith.constant 0 : i32
    %add3A_13 = arith.addi %mul3A_12, %add3A : i32
    "tpu.region"() ({
      %run_scoped3A = tpu.sem_alloc : memref<!tpu.dma_semaphore, #tpu.memory_space<semaphore_mem>>
      %dma_start3A = arith.constant 0 : i32
      %dma_start3A_40 = tpu.memref_slice %arg14[%add3A_13, %dma_start3A] : memref<10112x64xf32, #tpu.memory_space<vmem_shared>> -> memref<128x64xf32, #tpu.memory_space<vmem_shared>>
      %dma_start3A_41 = arith.constant 0 : i32
      %dma_start3A_42 = tpu.memref_slice %arg14[%add3A_13, %dma_start3A_41] : memref<10112x64xf32, #tpu.memory_space<vmem_shared>> -> memref<128x64xf32, #tpu.memory_space<vmem_shared>>
      tpu.enqueue_dma source(%arg12 : memref<128x64xf32, #tpu.memory_space<vmem>>) target(%dma_start3A_42 : memref<128x64xf32, #tpu.memory_space<vmem_shared>>) target_semaphore(%run_scoped3A : memref<!tpu.dma_semaphore, #tpu.memory_space<semaphore_mem>>)
      %dma_wait3A = arith.constant 0 : i32
      %dma_wait3A_43 = tpu.memref_slice %arg14[%add3A_13, %dma_wait3A] : memref<10112x64xf32, #tpu.memory_space<vmem_shared>> -> memref<128x64xf32, #tpu.memory_space<vmem_shared>>
      %dma_wait3A_44 = arith.constant 0 : i32
      %dma_wait3A_45 = tpu.memref_slice %arg14[%add3A_13, %dma_wait3A_44] : memref<10112x64xf32, #tpu.memory_space<vmem_shared>> -> memref<128x64xf32, #tpu.memory_space<vmem_shared>>
      tpu.wait_dma2 semaphore(%run_scoped3A : memref<!tpu.dma_semaphore, #tpu.memory_space<semaphore_mem>>) src(%arg12 : memref<128x64xf32, #tpu.memory_space<vmem>>) dst(%dma_wait3A_45 : memref<128x64xf32, #tpu.memory_space<vmem_shared>>)
      tpu.yield
    }) : () -> ()
    %add3A_14 = arith.constant 0 : i32
    %add3A_15 = arith.addi %mul3A_12, %add3A_14 : i32
    "tpu.region"() ({
      %run_scoped3A = tpu.sem_alloc : memref<!tpu.dma_semaphore, #tpu.memory_space<semaphore_mem>>
      %dma_start3A = arith.constant 0 : i32
      %dma_start3A_40 = tpu.memref_slice %arg19[%add3A_15, %dma_start3A] : memref<10112x16xf32, #tpu.memory_space<vmem_shared>> -> memref<128x16xf32, #tpu.memory_space<vmem_shared>>
      %dma_start3A_41 = arith.constant 0 : i32
      %dma_start3A_42 = tpu.memref_slice %arg19[%add3A_15, %dma_start3A_41] : memref<10112x16xf32, #tpu.memory_space<vmem_shared>> -> memref<128x16xf32, #tpu.memory_space<vmem_shared>>
      tpu.enqueue_dma source(%arg18 : memref<128x16xf32, #tpu.memory_space<vmem>>) target(%dma_start3A_42 : memref<128x16xf32, #tpu.memory_space<vmem_shared>>) target_semaphore(%run_scoped3A : memref<!tpu.dma_semaphore, #tpu.memory_space<semaphore_mem>>)
      %dma_wait3A = arith.constant 0 : i32
      %dma_wait3A_43 = tpu.memref_slice %arg19[%add3A_15, %dma_wait3A] : memref<10112x16xf32, #tpu.memory_space<vmem_shared>> -> memref<128x16xf32, #tpu.memory_space<vmem_shared>>
      %dma_wait3A_44 = arith.constant 0 : i32
      %dma_wait3A_45 = tpu.memref_slice %arg19[%add3A_15, %dma_wait3A_44] : memref<10112x16xf32, #tpu.memory_space<vmem_shared>> -> memref<128x16xf32, #tpu.memory_space<vmem_shared>>
      tpu.wait_dma2 semaphore(%run_scoped3A : memref<!tpu.dma_semaphore, #tpu.memory_space<semaphore_mem>>) src(%arg18 : memref<128x16xf32, #tpu.memory_space<vmem>>) dst(%dma_wait3A_45 : memref<128x16xf32, #tpu.memory_space<vmem_shared>>)
      tpu.yield
    }) : () -> ()
    %add3A_16 = arith.constant 128 : i32
    %add3A_17 = arith.addi %mul3A_12, %add3A_16 : i32
    "tpu.region"() ({
      %run_scoped3A = tpu.sem_alloc : memref<!tpu.dma_semaphore, #tpu.memory_space<semaphore_mem>>
      %dma_start3A = arith.constant 0 : i32
      %dma_start3A_40 = tpu.memref_slice %arg14[%add3A_17, %dma_start3A] : memref<10112x64xf32, #tpu.memory_space<vmem_shared>> -> memref<128x64xf32, #tpu.memory_space<vmem_shared>>
      %dma_start3A_41 = arith.constant 0 : i32
      %dma_start3A_42 = tpu.memref_slice %arg14[%add3A_17, %dma_start3A_41] : memref<10112x64xf32, #tpu.memory_space<vmem_shared>> -> memref<128x64xf32, #tpu.memory_space<vmem_shared>>
      tpu.enqueue_dma source(%arg12 : memref<128x64xf32, #tpu.memory_space<vmem>>) target(%dma_start3A_42 : memref<128x64xf32, #tpu.memory_space<vmem_shared>>) target_semaphore(%run_scoped3A : memref<!tpu.dma_semaphore, #tpu.memory_space<semaphore_mem>>)
      %dma_wait3A = arith.constant 0 : i32
      %dma_wait3A_43 = tpu.memref_slice %arg14[%add3A_17, %dma_wait3A] : memref<10112x64xf32, #tpu.memory_space<vmem_shared>> -> memref<128x64xf32, #tpu.memory_space<vmem_shared>>
      %dma_wait3A_44 = arith.constant 0 : i32
      %dma_wait3A_45 = tpu.memref_slice %arg14[%add3A_17, %dma_wait3A_44] : memref<10112x64xf32, #tpu.memory_space<vmem_shared>> -> memref<128x64xf32, #tpu.memory_space<vmem_shared>>
      tpu.wait_dma2 semaphore(%run_scoped3A : memref<!tpu.dma_semaphore, #tpu.memory_space<semaphore_mem>>) src(%arg12 : memref<128x64xf32, #tpu.memory_space<vmem>>) dst(%dma_wait3A_45 : memref<128x64xf32, #tpu.memory_space<vmem_shared>>)
      tpu.yield
    }) : () -> ()
    %add3A_18 = arith.constant 128 : i32
    %add3A_19 = arith.addi %mul3A_12, %add3A_18 : i32
    "tpu.region"() ({
      %run_scoped3A = tpu.sem_alloc : memref<!tpu.dma_semaphore, #tpu.memory_space<semaphore_mem>>
      %dma_start3A = arith.constant 0 : i32
      %dma_start3A_40 = tpu.memref_slice %arg19[%add3A_19, %dma_start3A] : memref<10112x16xf32, #tpu.memory_space<vmem_shared>> -> memref<128x16xf32, #tpu.memory_space<vmem_shared>>
      %dma_start3A_41 = arith.constant 0 : i32
      %dma_start3A_42 = tpu.memref_slice %arg19[%add3A_19, %dma_start3A_41] : memref<10112x16xf32, #tpu.memory_space<vmem_shared>> -> memref<128x16xf32, #tpu.memory_space<vmem_shared>>
      tpu.enqueue_dma source(%arg18 : memref<128x16xf32, #tpu.memory_space<vmem>>) target(%dma_start3A_42 : memref<128x16xf32, #tpu.memory_space<vmem_shared>>) target_semaphore(%run_scoped3A : memref<!tpu.dma_semaphore, #tpu.memory_space<semaphore_mem>>)
      %dma_wait3A = arith.constant 0 : i32
      %dma_wait3A_43 = tpu.memref_slice %arg19[%add3A_19, %dma_wait3A] : memref<10112x16xf32, #tpu.memory_space<vmem_shared>> -> memref<128x16xf32, #tpu.memory_space<vmem_shared>>
      %dma_wait3A_44 = arith.constant 0 : i32
      %dma_wait3A_45 = tpu.memref_slice %arg19[%add3A_19, %dma_wait3A_44] : memref<10112x16xf32, #tpu.memory_space<vmem_shared>> -> memref<128x16xf32, #tpu.memory_space<vmem_shared>>
      tpu.wait_dma2 semaphore(%run_scoped3A : memref<!tpu.dma_semaphore, #tpu.memory_space<semaphore_mem>>) src(%arg18 : memref<128x16xf32, #tpu.memory_space<vmem>>) dst(%dma_wait3A_45 : memref<128x16xf32, #tpu.memory_space<vmem_shared>>)
      tpu.yield
    }) : () -> ()
    %add3A_20 = arith.constant 256 : i32
    %add3A_21 = arith.addi %mul3A_12, %add3A_20 : i32
    "tpu.region"() ({
      %run_scoped3A = tpu.sem_alloc : memref<!tpu.dma_semaphore, #tpu.memory_space<semaphore_mem>>
      %dma_start3A = arith.constant 0 : i32
      %dma_start3A_40 = tpu.memref_slice %arg14[%add3A_21, %dma_start3A] : memref<10112x64xf32, #tpu.memory_space<vmem_shared>> -> memref<128x64xf32, #tpu.memory_space<vmem_shared>>
      %dma_start3A_41 = arith.constant 0 : i32
      %dma_start3A_42 = tpu.memref_slice %arg14[%add3A_21, %dma_start3A_41] : memref<10112x64xf32, #tpu.memory_space<vmem_shared>> -> memref<128x64xf32, #tpu.memory_space<vmem_shared>>
      tpu.enqueue_dma source(%arg12 : memref<128x64xf32, #tpu.memory_space<vmem>>) target(%dma_start3A_42 : memref<128x64xf32, #tpu.memory_space<vmem_shared>>) target_semaphore(%run_scoped3A : memref<!tpu.dma_semaphore, #tpu.memory_space<semaphore_mem>>)
      %dma_wait3A = arith.constant 0 : i32
      %dma_wait3A_43 = tpu.memref_slice %arg14[%add3A_21, %dma_wait3A] : memref<10112x64xf32, #tpu.memory_space<vmem_shared>> -> memref<128x64xf32, #tpu.memory_space<vmem_shared>>
      %dma_wait3A_44 = arith.constant 0 : i32
      %dma_wait3A_45 = tpu.memref_slice %arg14[%add3A_21, %dma_wait3A_44] : memref<10112x64xf32, #tpu.memory_space<vmem_shared>> -> memref<128x64xf32, #tpu.memory_space<vmem_shared>>
      tpu.wait_dma2 semaphore(%run_scoped3A : memref<!tpu.dma_semaphore, #tpu.memory_space<semaphore_mem>>) src(%arg12 : memref<128x64xf32, #tpu.memory_space<vmem>>) dst(%dma_wait3A_45 : memref<128x64xf32, #tpu.memory_space<vmem_shared>>)
      tpu.yield
    }) : () -> ()
    %add3A_22 = arith.constant 256 : i32
    %add3A_23 = arith.addi %mul3A_12, %add3A_22 : i32
    "tpu.region"() ({
      %run_scoped3A = tpu.sem_alloc : memref<!tpu.dma_semaphore, #tpu.memory_space<semaphore_mem>>
      %dma_start3A = arith.constant 0 : i32
      %dma_start3A_40 = tpu.memref_slice %arg19[%add3A_23, %dma_start3A] : memref<10112x16xf32, #tpu.memory_space<vmem_shared>> -> memref<128x16xf32, #tpu.memory_space<vmem_shared>>
      %dma_start3A_41 = arith.constant 0 : i32
      %dma_start3A_42 = tpu.memref_slice %arg19[%add3A_23, %dma_start3A_41] : memref<10112x16xf32, #tpu.memory_space<vmem_shared>> -> memref<128x16xf32, #tpu.memory_space<vmem_shared>>
      tpu.enqueue_dma source(%arg18 : memref<128x16xf32, #tpu.memory_space<vmem>>) target(%dma_start3A_42 : memref<128x16xf32, #tpu.memory_space<vmem_shared>>) target_semaphore(%run_scoped3A : memref<!tpu.dma_semaphore, #tpu.memory_space<semaphore_mem>>)
      %dma_wait3A = arith.constant 0 : i32
      %dma_wait3A_43 = tpu.memref_slice %arg19[%add3A_23, %dma_wait3A] : memref<10112x16xf32, #tpu.memory_space<vmem_shared>> -> memref<128x16xf32, #tpu.memory_space<vmem_shared>>
      %dma_wait3A_44 = arith.constant 0 : i32
      %dma_wait3A_45 = tpu.memref_slice %arg19[%add3A_23, %dma_wait3A_44] : memref<10112x16xf32, #tpu.memory_space<vmem_shared>> -> memref<128x16xf32, #tpu.memory_space<vmem_shared>>
      tpu.wait_dma2 semaphore(%run_scoped3A : memref<!tpu.dma_semaphore, #tpu.memory_space<semaphore_mem>>) src(%arg18 : memref<128x16xf32, #tpu.memory_space<vmem>>) dst(%dma_wait3A_45 : memref<128x16xf32, #tpu.memory_space<vmem_shared>>)
      tpu.yield
    }) : () -> ()
    %add3A_24 = arith.constant 384 : i32
    %add3A_25 = arith.addi %mul3A_12, %add3A_24 : i32
    "tpu.region"() ({
      %run_scoped3A = tpu.sem_alloc : memref<!tpu.dma_semaphore, #tpu.memory_space<semaphore_mem>>
      %dma_start3A = arith.constant 0 : i32
      %dma_start3A_40 = tpu.memref_slice %arg14[%add3A_25, %dma_start3A] : memref<10112x64xf32, #tpu.memory_space<vmem_shared>> -> memref<128x64xf32, #tpu.memory_space<vmem_shared>>
      %dma_start3A_41 = arith.constant 0 : i32
      %dma_start3A_42 = tpu.memref_slice %arg14[%add3A_25, %dma_start3A_41] : memref<10112x64xf32, #tpu.memory_space<vmem_shared>> -> memref<128x64xf32, #tpu.memory_space<vmem_shared>>
      tpu.enqueue_dma source(%arg12 : memref<128x64xf32, #tpu.memory_space<vmem>>) target(%dma_start3A_42 : memref<128x64xf32, #tpu.memory_space<vmem_shared>>) target_semaphore(%run_scoped3A : memref<!tpu.dma_semaphore, #tpu.memory_space<semaphore_mem>>)
      %dma_wait3A = arith.constant 0 : i32
      %dma_wait3A_43 = tpu.memref_slice %arg14[%add3A_25, %dma_wait3A] : memref<10112x64xf32, #tpu.memory_space<vmem_shared>> -> memref<128x64xf32, #tpu.memory_space<vmem_shared>>
      %dma_wait3A_44 = arith.constant 0 : i32
      %dma_wait3A_45 = tpu.memref_slice %arg14[%add3A_25, %dma_wait3A_44] : memref<10112x64xf32, #tpu.memory_space<vmem_shared>> -> memref<128x64xf32, #tpu.memory_space<vmem_shared>>
      tpu.wait_dma2 semaphore(%run_scoped3A : memref<!tpu.dma_semaphore, #tpu.memory_space<semaphore_mem>>) src(%arg12 : memref<128x64xf32, #tpu.memory_space<vmem>>) dst(%dma_wait3A_45 : memref<128x64xf32, #tpu.memory_space<vmem_shared>>)
      tpu.yield
    }) : () -> ()
    %add3A_26 = arith.constant 384 : i32
    %add3A_27 = arith.addi %mul3A_12, %add3A_26 : i32
    "tpu.region"() ({
      %run_scoped3A = tpu.sem_alloc : memref<!tpu.dma_semaphore, #tpu.memory_space<semaphore_mem>>
      %dma_start3A = arith.constant 0 : i32
      %dma_start3A_40 = tpu.memref_slice %arg19[%add3A_27, %dma_start3A] : memref<10112x16xf32, #tpu.memory_space<vmem_shared>> -> memref<128x16xf32, #tpu.memory_space<vmem_shared>>
      %dma_start3A_41 = arith.constant 0 : i32
      %dma_start3A_42 = tpu.memref_slice %arg19[%add3A_27, %dma_start3A_41] : memref<10112x16xf32, #tpu.memory_space<vmem_shared>> -> memref<128x16xf32, #tpu.memory_space<vmem_shared>>
      tpu.enqueue_dma source(%arg18 : memref<128x16xf32, #tpu.memory_space<vmem>>) target(%dma_start3A_42 : memref<128x16xf32, #tpu.memory_space<vmem_shared>>) target_semaphore(%run_scoped3A : memref<!tpu.dma_semaphore, #tpu.memory_space<semaphore_mem>>)
      %dma_wait3A = arith.constant 0 : i32
      %dma_wait3A_43 = tpu.memref_slice %arg19[%add3A_27, %dma_wait3A] : memref<10112x16xf32, #tpu.memory_space<vmem_shared>> -> memref<128x16xf32, #tpu.memory_space<vmem_shared>>
      %dma_wait3A_44 = arith.constant 0 : i32
      %dma_wait3A_45 = tpu.memref_slice %arg19[%add3A_27, %dma_wait3A_44] : memref<10112x16xf32, #tpu.memory_space<vmem_shared>> -> memref<128x16xf32, #tpu.memory_space<vmem_shared>>
      tpu.wait_dma2 semaphore(%run_scoped3A : memref<!tpu.dma_semaphore, #tpu.memory_space<semaphore_mem>>) src(%arg18 : memref<128x16xf32, #tpu.memory_space<vmem>>) dst(%dma_wait3A_45 : memref<128x16xf32, #tpu.memory_space<vmem_shared>>)
      tpu.yield
    }) : () -> ()
    %add3A_28 = arith.constant 512 : i32
    %add3A_29 = arith.addi %mul3A_12, %add3A_28 : i32
    "tpu.region"() ({
      %run_scoped3A = tpu.sem_alloc : memref<!tpu.dma_semaphore, #tpu.memory_space<semaphore_mem>>
      %dma_start3A = arith.constant 0 : i32
      %dma_start3A_40 = arith.constant 0 : i32
      %dma_start3A_41 = tpu.memref_slice %arg12[%dma_start3A, %dma_start3A_40] : memref<128x64xf32, #tpu.memory_space<vmem>> -> memref<120x64xf32, #tpu.memory_space<vmem>>
      %dma_start3A_42 = arith.constant 0 : i32
      %dma_start3A_43 = tpu.memref_slice %arg14[%add3A_29, %dma_start3A_42] : memref<10112x64xf32, #tpu.memory_space<vmem_shared>> -> memref<120x64xf32, #tpu.memory_space<vmem_shared>>
      %dma_start3A_44 = arith.constant 0 : i32
      %dma_start3A_45 = tpu.memref_slice %arg14[%add3A_29, %dma_start3A_44] : memref<10112x64xf32, #tpu.memory_space<vmem_shared>> -> memref<120x64xf32, #tpu.memory_space<vmem_shared>>
      %dma_start3A_46 = arith.constant 0 : i32
      %dma_start3A_47 = arith.constant 0 : i32
      %dma_start3A_48 = tpu.memref_slice %arg12[%dma_start3A_46, %dma_start3A_47] : memref<128x64xf32, #tpu.memory_space<vmem>> -> memref<120x64xf32, #tpu.memory_space<vmem>>
      tpu.enqueue_dma source(%dma_start3A_48 : memref<120x64xf32, #tpu.memory_space<vmem>>) target(%dma_start3A_45 : memref<120x64xf32, #tpu.memory_space<vmem_shared>>) target_semaphore(%run_scoped3A : memref<!tpu.dma_semaphore, #tpu.memory_space<semaphore_mem>>)
      %dma_wait3A = arith.constant 0 : i32
      %dma_wait3A_49 = arith.constant 0 : i32
      %dma_wait3A_50 = tpu.memref_slice %arg12[%dma_wait3A, %dma_wait3A_49] : memref<128x64xf32, #tpu.memory_space<vmem>> -> memref<120x64xf32, #tpu.memory_space<vmem>>
      %dma_wait3A_51 = arith.constant 0 : i32
      %dma_wait3A_52 = tpu.memref_slice %arg14[%add3A_29, %dma_wait3A_51] : memref<10112x64xf32, #tpu.memory_space<vmem_shared>> -> memref<120x64xf32, #tpu.memory_space<vmem_shared>>
      %dma_wait3A_53 = arith.constant 0 : i32
      %dma_wait3A_54 = tpu.memref_slice %arg14[%add3A_29, %dma_wait3A_53] : memref<10112x64xf32, #tpu.memory_space<vmem_shared>> -> memref<120x64xf32, #tpu.memory_space<vmem_shared>>
      %dma_wait3A_55 = arith.constant 0 : i32
      %dma_wait3A_56 = arith.constant 0 : i32
      %dma_wait3A_57 = tpu.memref_slice %arg12[%dma_wait3A_55, %dma_wait3A_56] : memref<128x64xf32, #tpu.memory_space<vmem>> -> memref<120x64xf32, #tpu.memory_space<vmem>>
      tpu.wait_dma2 semaphore(%run_scoped3A : memref<!tpu.dma_semaphore, #tpu.memory_space<semaphore_mem>>) src(%dma_wait3A_57 : memref<120x64xf32, #tpu.memory_space<vmem>>) dst(%dma_wait3A_54 : memref<120x64xf32, #tpu.memory_space<vmem_shared>>)
      tpu.yield
    }) : () -> ()
    %add3A_30 = arith.constant 512 : i32
    %add3A_31 = arith.addi %mul3A_12, %add3A_30 : i32
    "tpu.region"() ({
      %run_scoped3A = tpu.sem_alloc : memref<!tpu.dma_semaphore, #tpu.memory_space<semaphore_mem>>
      %dma_start3A = arith.constant 0 : i32
      %dma_start3A_40 = arith.constant 0 : i32
      %dma_start3A_41 = tpu.memref_slice %arg18[%dma_start3A, %dma_start3A_40] : memref<128x16xf32, #tpu.memory_space<vmem>> -> memref<120x16xf32, #tpu.memory_space<vmem>>
      %dma_start3A_42 = arith.constant 0 : i32
      %dma_start3A_43 = tpu.memref_slice %arg19[%add3A_31, %dma_start3A_42] : memref<10112x16xf32, #tpu.memory_space<vmem_shared>> -> memref<120x16xf32, #tpu.memory_space<vmem_shared>>
      %dma_start3A_44 = arith.constant 0 : i32
      %dma_start3A_45 = tpu.memref_slice %arg19[%add3A_31, %dma_start3A_44] : memref<10112x16xf32, #tpu.memory_space<vmem_shared>> -> memref<120x16xf32, #tpu.memory_space<vmem_shared>>
      %dma_start3A_46 = arith.constant 0 : i32
      %dma_start3A_47 = arith.constant 0 : i32
      %dma_start3A_48 = tpu.memref_slice %arg18[%dma_start3A_46, %dma_start3A_47] : memref<128x16xf32, #tpu.memory_space<vmem>> -> memref<120x16xf32, #tpu.memory_space<vmem>>
      tpu.enqueue_dma source(%dma_start3A_48 : memref<120x16xf32, #tpu.memory_space<vmem>>) target(%dma_start3A_45 : memref<120x16xf32, #tpu.memory_space<vmem_shared>>) target_semaphore(%run_scoped3A : memref<!tpu.dma_semaphore, #tpu.memory_space<semaphore_mem>>)
      %dma_wait3A = arith.constant 0 : i32
      %dma_wait3A_49 = arith.constant 0 : i32
      %dma_wait3A_50 = tpu.memref_slice %arg18[%dma_wait3A, %dma_wait3A_49] : memref<128x16xf32, #tpu.memory_space<vmem>> -> memref<120x16xf32, #tpu.memory_space<vmem>>
      %dma_wait3A_51 = arith.constant 0 : i32
      %dma_wait3A_52 = tpu.memref_slice %arg19[%add3A_31, %dma_wait3A_51] : memref<10112x16xf32, #tpu.memory_space<vmem_shared>> -> memref<120x16xf32, #tpu.memory_space<vmem_shared>>
      %dma_wait3A_53 = arith.constant 0 : i32
      %dma_wait3A_54 = tpu.memref_slice %arg19[%add3A_31, %dma_wait3A_53] : memref<10112x16xf32, #tpu.memory_space<vmem_shared>> -> memref<120x16xf32, #tpu.memory_space<vmem_shared>>
      %dma_wait3A_55 = arith.constant 0 : i32
      %dma_wait3A_56 = arith.constant 0 : i32
      %dma_wait3A_57 = tpu.memref_slice %arg18[%dma_wait3A_55, %dma_wait3A_56] : memref<128x16xf32, #tpu.memory_space<vmem>> -> memref<120x16xf32, #tpu.memory_space<vmem>>
      tpu.wait_dma2 semaphore(%run_scoped3A : memref<!tpu.dma_semaphore, #tpu.memory_space<semaphore_mem>>) src(%dma_wait3A_57 : memref<120x16xf32, #tpu.memory_space<vmem>>) dst(%dma_wait3A_54 : memref<120x16xf32, #tpu.memory_space<vmem_shared>>)
      tpu.yield
    }) : () -> ()
    %barrier3A = arith.constant 0 : index
    tpu.barrier barrier_id(%barrier3A)
    "tpu.region"() ({
      %run_scoped3A = tpu.sem_alloc : memref<!tpu.dma_semaphore, #tpu.memory_space<semaphore_mem>>
      %dma_start3A = arith.constant 0 : i32
      %dma_start3A_40 = arith.constant 0 : i32
      %dma_start3A_41 = tpu.memref_slice %arg4[%arg0, %arg1, %dma_start3A, %dma_start3A_40] : memref<2x16x79x128xi32, #tpu.memory_space<hbm>> -> memref<1x1x79x128xi32, #tpu.memory_space<hbm>>
      %dma_start3A_42 = tpu.memref_squeeze %dma_start3A_41 : memref<1x1x79x128xi32, #tpu.memory_space<hbm>> -> memref<79x128xi32, #tpu.memory_space<hbm>>
      %dma_start3A_43 = arith.constant 0 : i32
      %dma_start3A_44 = arith.constant 0 : i32
      %dma_start3A_45 = tpu.memref_slice %arg4[%arg0, %arg1, %dma_start3A_43, %dma_start3A_44] : memref<2x16x79x128xi32, #tpu.memory_space<hbm>> -> memref<1x1x79x128xi32, #tpu.memory_space<hbm>>
      %dma_start3A_46 = tpu.memref_squeeze %dma_start3A_45 : memref<1x1x79x128xi32, #tpu.memory_space<hbm>> -> memref<79x128xi32, #tpu.memory_space<hbm>>
      tpu.enqueue_dma source(%dma_start3A_46 : memref<79x128xi32, #tpu.memory_space<hbm>>) target(%arg9 : memref<79x128xi32, #tpu.memory_space<vmem>>) target_semaphore(%run_scoped3A : memref<!tpu.dma_semaphore, #tpu.memory_space<semaphore_mem>>)
      %dma_wait3A = arith.constant 0 : i32
      %dma_wait3A_47 = arith.constant 0 : i32
      %dma_wait3A_48 = tpu.memref_slice %arg4[%arg0, %arg1, %dma_wait3A, %dma_wait3A_47] : memref<2x16x79x128xi32, #tpu.memory_space<hbm>> -> memref<1x1x79x128xi32, #tpu.memory_space<hbm>>
      %dma_wait3A_49 = tpu.memref_squeeze %dma_wait3A_48 : memref<1x1x79x128xi32, #tpu.memory_space<hbm>> -> memref<79x128xi32, #tpu.memory_space<hbm>>
      %dma_wait3A_50 = arith.constant 0 : i32
      %dma_wait3A_51 = arith.constant 0 : i32
      %dma_wait3A_52 = tpu.memref_slice %arg4[%arg0, %arg1, %dma_wait3A_50, %dma_wait3A_51] : memref<2x16x79x128xi32, #tpu.memory_space<hbm>> -> memref<1x1x79x128xi32, #tpu.memory_space<hbm>>
      %dma_wait3A_53 = tpu.memref_squeeze %dma_wait3A_52 : memref<1x1x79x128xi32, #tpu.memory_space<hbm>> -> memref<79x128xi32, #tpu.memory_space<hbm>>
      tpu.wait_dma2 semaphore(%run_scoped3A : memref<!tpu.dma_semaphore, #tpu.memory_space<semaphore_mem>>) src(%dma_wait3A_53 : memref<79x128xi32, #tpu.memory_space<hbm>>) dst(%arg9 : memref<79x128xi32, #tpu.memory_space<vmem>>)
      tpu.yield
    }) : () -> ()
    "tpu.region"() ({
      %run_scoped3A = tpu.sem_alloc : memref<!tpu.dma_semaphore, #tpu.memory_space<semaphore_mem>>
      %dma_start3A = arith.constant 0 : i32
      %dma_start3A_40 = arith.constant 0 : i32
      %dma_start3A_41 = tpu.memref_slice %arg5[%arg0, %arg1, %dma_start3A, %dma_start3A_40] : memref<2x16x79x128xi32, #tpu.memory_space<hbm>> -> memref<1x1x79x128xi32, #tpu.memory_space<hbm>>
      %dma_start3A_42 = tpu.memref_squeeze %dma_start3A_41 : memref<1x1x79x128xi32, #tpu.memory_space<hbm>> -> memref<79x128xi32, #tpu.memory_space<hbm>>
      %dma_start3A_43 = arith.constant 0 : i32
      %dma_start3A_44 = arith.constant 0 : i32
      %dma_start3A_45 = tpu.memref_slice %arg5[%arg0, %arg1, %dma_start3A_43, %dma_start3A_44] : memref<2x16x79x128xi32, #tpu.memory_space<hbm>> -> memref<1x1x79x128xi32, #tpu.memory_space<hbm>>
      %dma_start3A_46 = tpu.memref_squeeze %dma_start3A_45 : memref<1x1x79x128xi32, #tpu.memory_space<hbm>> -> memref<79x128xi32, #tpu.memory_space<hbm>>
      tpu.enqueue_dma source(%dma_start3A_46 : memref<79x128xi32, #tpu.memory_space<hbm>>) target(%arg10 : memref<79x128xi32, #tpu.memory_space<vmem>>) target_semaphore(%run_scoped3A : memref<!tpu.dma_semaphore, #tpu.memory_space<semaphore_mem>>)
      %dma_wait3A = arith.constant 0 : i32
      %dma_wait3A_47 = arith.constant 0 : i32
      %dma_wait3A_48 = tpu.memref_slice %arg5[%arg0, %arg1, %dma_wait3A, %dma_wait3A_47] : memref<2x16x79x128xi32, #tpu.memory_space<hbm>> -> memref<1x1x79x128xi32, #tpu.memory_space<hbm>>
      %dma_wait3A_49 = tpu.memref_squeeze %dma_wait3A_48 : memref<1x1x79x128xi32, #tpu.memory_space<hbm>> -> memref<79x128xi32, #tpu.memory_space<hbm>>
      %dma_wait3A_50 = arith.constant 0 : i32
      %dma_wait3A_51 = arith.constant 0 : i32
      %dma_wait3A_52 = tpu.memref_slice %arg5[%arg0, %arg1, %dma_wait3A_50, %dma_wait3A_51] : memref<2x16x79x128xi32, #tpu.memory_space<hbm>> -> memref<1x1x79x128xi32, #tpu.memory_space<hbm>>
      %dma_wait3A_53 = tpu.memref_squeeze %dma_wait3A_52 : memref<1x1x79x128xi32, #tpu.memory_space<hbm>> -> memref<79x128xi32, #tpu.memory_space<hbm>>
      tpu.wait_dma2 semaphore(%run_scoped3A : memref<!tpu.dma_semaphore, #tpu.memory_space<semaphore_mem>>) src(%dma_wait3A_53 : memref<79x128xi32, #tpu.memory_space<hbm>>) dst(%arg10 : memref<79x128xi32, #tpu.memory_space<vmem>>)
      tpu.yield
    }) : () -> ()
    "tpu.region"() ({
      %run_scoped3A = tpu.sem_alloc : memref<!tpu.dma_semaphore, #tpu.memory_space<semaphore_mem>>
      %dma_start3A = arith.constant 0 : i32
      %dma_start3A_40 = arith.constant 0 : i32
      %dma_start3A_41 = tpu.memref_slice %arg6[%arg0, %arg1, %dma_start3A, %dma_start3A_40] : memref<2x16x79x128xi32, #tpu.memory_space<hbm>> -> memref<1x1x79x128xi32, #tpu.memory_space<hbm>>
      %dma_start3A_42 = tpu.memref_squeeze %dma_start3A_41 : memref<1x1x79x128xi32, #tpu.memory_space<hbm>> -> memref<79x128xi32, #tpu.memory_space<hbm>>
      %dma_start3A_43 = arith.constant 0 : i32
      %dma_start3A_44 = arith.constant 0 : i32
      %dma_start3A_45 = tpu.memref_slice %arg6[%arg0, %arg1, %dma_start3A_43, %dma_start3A_44] : memref<2x16x79x128xi32, #tpu.memory_space<hbm>> -> memref<1x1x79x128xi32, #tpu.memory_space<hbm>>
      %dma_start3A_46 = tpu.memref_squeeze %dma_start3A_45 : memref<1x1x79x128xi32, #tpu.memory_space<hbm>> -> memref<79x128xi32, #tpu.memory_space<hbm>>
      tpu.enqueue_dma source(%dma_start3A_46 : memref<79x128xi32, #tpu.memory_space<hbm>>) target(%arg11 : memref<79x128xi32, #tpu.memory_space<vmem>>) target_semaphore(%run_scoped3A : memref<!tpu.dma_semaphore, #tpu.memory_space<semaphore_mem>>)
      %dma_wait3A = arith.constant 0 : i32
      %dma_wait3A_47 = arith.constant 0 : i32
      %dma_wait3A_48 = tpu.memref_slice %arg6[%arg0, %arg1, %dma_wait3A, %dma_wait3A_47] : memref<2x16x79x128xi32, #tpu.memory_space<hbm>> -> memref<1x1x79x128xi32, #tpu.memory_space<hbm>>
      %dma_wait3A_49 = tpu.memref_squeeze %dma_wait3A_48 : memref<1x1x79x128xi32, #tpu.memory_space<hbm>> -> memref<79x128xi32, #tpu.memory_space<hbm>>
      %dma_wait3A_50 = arith.constant 0 : i32
      %dma_wait3A_51 = arith.constant 0 : i32
      %dma_wait3A_52 = tpu.memref_slice %arg6[%arg0, %arg1, %dma_wait3A_50, %dma_wait3A_51] : memref<2x16x79x128xi32, #tpu.memory_space<hbm>> -> memref<1x1x79x128xi32, #tpu.memory_space<hbm>>
      %dma_wait3A_53 = tpu.memref_squeeze %dma_wait3A_52 : memref<1x1x79x128xi32, #tpu.memory_space<hbm>> -> memref<79x128xi32, #tpu.memory_space<hbm>>
      tpu.wait_dma2 semaphore(%run_scoped3A : memref<!tpu.dma_semaphore, #tpu.memory_space<semaphore_mem>>) src(%dma_wait3A_53 : memref<79x128xi32, #tpu.memory_space<hbm>>) dst(%arg11 : memref<79x128xi32, #tpu.memory_space<vmem>>)
      tpu.yield
    }) : () -> ()
    %scan3A_32 = arith.constant 0 : i32
    %scan3A_33 = arith.constant 0 : i32
    %scan3A_34 = arith.constant 79 : i32
    %scan3A_35 = arith.addi %scan3A_33, %scan3A_34 : i32
    %scan3A_36 = arith.constant 1 : i32
    %scan3A_37 = scf.for %scan3A_40 = %scan3A_33 to %scan3A_35 step %scan3A_36 iter_args(%scan3A_41 = %scan3A_32) -> (i32)  : i32 {
      %dma_start3A = arith.constant 0 : i32
      %dma_start3A_42 = tpu.memref_slice %arg9[%scan3A_40, %dma_start3A] : memref<79x128xi32, #tpu.memory_space<vmem>> -> memref<1x128xi32, #tpu.memory_space<vmem>>
      %dma_start3A_43 = tpu.memref_squeeze %dma_start3A_42 : memref<1x128xi32, #tpu.memory_space<vmem>> -> memref<128xi32, #tpu.memory_space<vmem>>
      %dma_start3A_44 = arith.constant 0 : i32
      %dma_start3A_45 = arith.constant 0 : i32
      %dma_start3A_46 = tpu.memref_slice %arg2[%dma_start3A_44, %dma_start3A_45] : memref<10000x64xf32, #tpu.memory_space<hbm>> -> memref<10000x64xf32, #tpu.memory_space<hbm>>
      tpu.enqueue_indirect_dma source(%dma_start3A_46 : memref<10000x64xf32, #tpu.memory_space<hbm>>) target(%arg12 : memref<128x64xf32, #tpu.memory_space<vmem>>) offsets(%dma_start3A_43 : memref<128xi32, #tpu.memory_space<vmem>>) semaphore(%arg15 : memref<!tpu.dma_semaphore, #tpu.memory_space<semaphore_mem>>)
      %dma_start3A_47 = arith.constant 0 : i32
      %dma_start3A_48 = tpu.memref_slice %arg11[%scan3A_40, %dma_start3A_47] : memref<79x128xi32, #tpu.memory_space<vmem>> -> memref<1x128xi32, #tpu.memory_space<vmem>>
      %dma_start3A_49 = tpu.memref_squeeze %dma_start3A_48 : memref<1x128xi32, #tpu.memory_space<vmem>> -> memref<128xi32, #tpu.memory_space<vmem>>
      %dma_start3A_50 = arith.constant 0 : i32
      %dma_start3A_51 = arith.constant 0 : i32
      %dma_start3A_52 = tpu.memref_slice %arg3[%dma_start3A_50, %dma_start3A_51] : memref<256x64xf32, #tpu.memory_space<hbm>> -> memref<256x64xf32, #tpu.memory_space<hbm>>
      tpu.enqueue_indirect_dma source(%dma_start3A_52 : memref<256x64xf32, #tpu.memory_space<hbm>>) target(%arg13 : memref<128x64xf32, #tpu.memory_space<vmem>>) offsets(%dma_start3A_49 : memref<128xi32, #tpu.memory_space<vmem>>) semaphore(%arg16 : memref<!tpu.dma_semaphore, #tpu.memory_space<semaphore_mem>>)
      %dma_wait3A = arith.constant 0 : i32
      %dma_wait3A_53 = tpu.memref_slice %arg9[%scan3A_40, %dma_wait3A] : memref<79x128xi32, #tpu.memory_space<vmem>> -> memref<1x128xi32, #tpu.memory_space<vmem>>
      %dma_wait3A_54 = tpu.memref_squeeze %dma_wait3A_53 : memref<1x128xi32, #tpu.memory_space<vmem>> -> memref<128xi32, #tpu.memory_space<vmem>>
      %dma_wait3A_55 = arith.constant 0 : i32
      %dma_wait3A_56 = arith.constant 0 : i32
      %dma_wait3A_57 = tpu.memref_slice %arg2[%dma_wait3A_55, %dma_wait3A_56] : memref<10000x64xf32, #tpu.memory_space<hbm>> -> memref<10000x64xf32, #tpu.memory_space<hbm>>
      tpu.wait_indirect_dma semaphore(%arg15 : memref<!tpu.dma_semaphore, #tpu.memory_space<semaphore_mem>>) src(%dma_wait3A_57 : memref<10000x64xf32, #tpu.memory_space<hbm>>) dst(%arg12 : memref<128x64xf32, #tpu.memory_space<vmem>>)
      %dma_wait3A_58 = arith.constant 0 : i32
      %dma_wait3A_59 = tpu.memref_slice %arg11[%scan3A_40, %dma_wait3A_58] : memref<79x128xi32, #tpu.memory_space<vmem>> -> memref<1x128xi32, #tpu.memory_space<vmem>>
      %dma_wait3A_60 = tpu.memref_squeeze %dma_wait3A_59 : memref<1x128xi32, #tpu.memory_space<vmem>> -> memref<128xi32, #tpu.memory_space<vmem>>
      %dma_wait3A_61 = arith.constant 0 : i32
      %dma_wait3A_62 = arith.constant 0 : i32
      %dma_wait3A_63 = tpu.memref_slice %arg3[%dma_wait3A_61, %dma_wait3A_62] : memref<256x64xf32, #tpu.memory_space<hbm>> -> memref<256x64xf32, #tpu.memory_space<hbm>>
      tpu.wait_indirect_dma semaphore(%arg16 : memref<!tpu.dma_semaphore, #tpu.memory_space<semaphore_mem>>) src(%dma_wait3A_63 : memref<256x64xf32, #tpu.memory_space<hbm>>) dst(%arg13 : memref<128x64xf32, #tpu.memory_space<vmem>>)
      "tpu.region"() ({
        %run_scoped3A = tpu.sem_alloc : memref<!tpu.dma_semaphore, #tpu.memory_space<semaphore_mem>>
        %dma_start3A_65 = arith.constant 0 : i32
        %dma_start3A_66 = tpu.memref_slice %arg10[%scan3A_40, %dma_start3A_65] : memref<79x128xi32, #tpu.memory_space<vmem>> -> memref<1x128xi32, #tpu.memory_space<vmem>>
        %dma_start3A_67 = tpu.memref_squeeze %dma_start3A_66 : memref<1x128xi32, #tpu.memory_space<vmem>> -> memref<128xi32, #tpu.memory_space<vmem>>
        %dma_start3A_68 = arith.constant 0 : i32
        %dma_start3A_69 = arith.constant 0 : i32
        %dma_start3A_70 = tpu.memref_slice %arg14[%dma_start3A_68, %dma_start3A_69] : memref<10112x64xf32, #tpu.memory_space<vmem_shared>> -> memref<10112x64xf32, #tpu.memory_space<vmem_shared>>
        tpu.enqueue_indirect_dma source(%arg12 : memref<128x64xf32, #tpu.memory_space<vmem>>) target(%dma_start3A_70 : memref<10112x64xf32, #tpu.memory_space<vmem_shared>>) offsets(%dma_start3A_67 : memref<128xi32, #tpu.memory_space<vmem>>) semaphore(%run_scoped3A : memref<!tpu.dma_semaphore, #tpu.memory_space<semaphore_mem>>) {add = true}
        %dma_wait3A_71 = arith.constant 0 : i32
        %dma_wait3A_72 = tpu.memref_slice %arg10[%scan3A_40, %dma_wait3A_71] : memref<79x128xi32, #tpu.memory_space<vmem>> -> memref<1x128xi32, #tpu.memory_space<vmem>>
        %dma_wait3A_73 = tpu.memref_squeeze %dma_wait3A_72 : memref<1x128xi32, #tpu.memory_space<vmem>> -> memref<128xi32, #tpu.memory_space<vmem>>
        %dma_wait3A_74 = arith.constant 0 : i32
        %dma_wait3A_75 = arith.constant 0 : i32
        %dma_wait3A_76 = tpu.memref_slice %arg14[%dma_wait3A_74, %dma_wait3A_75] : memref<10112x64xf32, #tpu.memory_space<vmem_shared>> -> memref<10112x64xf32, #tpu.memory_space<vmem_shared>>
        tpu.wait_indirect_dma semaphore(%run_scoped3A : memref<!tpu.dma_semaphore, #tpu.memory_space<semaphore_mem>>) src(%arg12 : memref<128x64xf32, #tpu.memory_space<vmem>>) dst(%dma_wait3A_76 : memref<10112x64xf32, #tpu.memory_space<vmem_shared>>)
        tpu.yield
      }) : () -> ()
      "tpu.region"() ({
        %run_scoped3A = tpu.sem_alloc : memref<!tpu.dma_semaphore, #tpu.memory_space<semaphore_mem>>
        %dma_start3A_65 = arith.constant 0 : i32
        %dma_start3A_66 = tpu.memref_slice %arg10[%scan3A_40, %dma_start3A_65] : memref<79x128xi32, #tpu.memory_space<vmem>> -> memref<1x128xi32, #tpu.memory_space<vmem>>
        %dma_start3A_67 = tpu.memref_squeeze %dma_start3A_66 : memref<1x128xi32, #tpu.memory_space<vmem>> -> memref<128xi32, #tpu.memory_space<vmem>>
        %dma_start3A_68 = arith.constant 0 : i32
        %dma_start3A_69 = arith.constant 0 : i32
        %dma_start3A_70 = tpu.memref_slice %arg14[%dma_start3A_68, %dma_start3A_69] : memref<10112x64xf32, #tpu.memory_space<vmem_shared>> -> memref<10112x64xf32, #tpu.memory_space<vmem_shared>>
        tpu.enqueue_indirect_dma source(%arg13 : memref<128x64xf32, #tpu.memory_space<vmem>>) target(%dma_start3A_70 : memref<10112x64xf32, #tpu.memory_space<vmem_shared>>) offsets(%dma_start3A_67 : memref<128xi32, #tpu.memory_space<vmem>>) semaphore(%run_scoped3A : memref<!tpu.dma_semaphore, #tpu.memory_space<semaphore_mem>>) {add = true}
        %dma_wait3A_71 = arith.constant 0 : i32
        %dma_wait3A_72 = tpu.memref_slice %arg10[%scan3A_40, %dma_wait3A_71] : memref<79x128xi32, #tpu.memory_space<vmem>> -> memref<1x128xi32, #tpu.memory_space<vmem>>
        %dma_wait3A_73 = tpu.memref_squeeze %dma_wait3A_72 : memref<1x128xi32, #tpu.memory_space<vmem>> -> memref<128xi32, #tpu.memory_space<vmem>>
        %dma_wait3A_74 = arith.constant 0 : i32
        %dma_wait3A_75 = arith.constant 0 : i32
        %dma_wait3A_76 = tpu.memref_slice %arg14[%dma_wait3A_74, %dma_wait3A_75] : memref<10112x64xf32, #tpu.memory_space<vmem_shared>> -> memref<10112x64xf32, #tpu.memory_space<vmem_shared>>
        tpu.wait_indirect_dma semaphore(%run_scoped3A : memref<!tpu.dma_semaphore, #tpu.memory_space<semaphore_mem>>) src(%arg13 : memref<128x64xf32, #tpu.memory_space<vmem>>) dst(%dma_wait3A_76 : memref<10112x64xf32, #tpu.memory_space<vmem_shared>>)
        tpu.yield
      }) : () -> ()
      "tpu.region"() ({
        %run_scoped3A = tpu.sem_alloc : memref<!tpu.dma_semaphore, #tpu.memory_space<semaphore_mem>>
        %dma_start3A_65 = arith.constant 0 : i32
        %dma_start3A_66 = tpu.memref_slice %arg10[%scan3A_40, %dma_start3A_65] : memref<79x128xi32, #tpu.memory_space<vmem>> -> memref<1x128xi32, #tpu.memory_space<vmem>>
        %dma_start3A_67 = tpu.memref_squeeze %dma_start3A_66 : memref<1x128xi32, #tpu.memory_space<vmem>> -> memref<128xi32, #tpu.memory_space<vmem>>
        %dma_start3A_68 = arith.constant 0 : i32
        %dma_start3A_69 = arith.constant 0 : i32
        %dma_start3A_70 = tpu.memref_slice %arg19[%dma_start3A_68, %dma_start3A_69] : memref<10112x16xf32, #tpu.memory_space<vmem_shared>> -> memref<10112x16xf32, #tpu.memory_space<vmem_shared>>
        tpu.enqueue_indirect_dma source(%arg17 : memref<128x16xf32, #tpu.memory_space<vmem>>) target(%dma_start3A_70 : memref<10112x16xf32, #tpu.memory_space<vmem_shared>>) offsets(%dma_start3A_67 : memref<128xi32, #tpu.memory_space<vmem>>) semaphore(%run_scoped3A : memref<!tpu.dma_semaphore, #tpu.memory_space<semaphore_mem>>) {add = true}
        %dma_wait3A_71 = arith.constant 0 : i32
        %dma_wait3A_72 = tpu.memref_slice %arg10[%scan3A_40, %dma_wait3A_71] : memref<79x128xi32, #tpu.memory_space<vmem>> -> memref<1x128xi32, #tpu.memory_space<vmem>>
        %dma_wait3A_73 = tpu.memref_squeeze %dma_wait3A_72 : memref<1x128xi32, #tpu.memory_space<vmem>> -> memref<128xi32, #tpu.memory_space<vmem>>
        %dma_wait3A_74 = arith.constant 0 : i32
        %dma_wait3A_75 = arith.constant 0 : i32
        %dma_wait3A_76 = tpu.memref_slice %arg19[%dma_wait3A_74, %dma_wait3A_75] : memref<10112x16xf32, #tpu.memory_space<vmem_shared>> -> memref<10112x16xf32, #tpu.memory_space<vmem_shared>>
        tpu.wait_indirect_dma semaphore(%run_scoped3A : memref<!tpu.dma_semaphore, #tpu.memory_space<semaphore_mem>>) src(%arg17 : memref<128x16xf32, #tpu.memory_space<vmem>>) dst(%dma_wait3A_76 : memref<10112x16xf32, #tpu.memory_space<vmem_shared>>)
        tpu.yield
      }) : () -> ()
      %scan3A_64 = arith.constant 0 : i32
      scf.yield %scan3A_64 : i32
    }
    %scan3A_38 = arith.constant 79 : i32
    %barrier3A_39 = arith.constant 0 : index
    tpu.barrier barrier_id(%barrier3A_39)
    "tpu.region"() ({
      %run_scoped3A = tpu.sem_alloc : memref<!tpu.dma_semaphore, #tpu.memory_space<semaphore_mem>>
      %dma_start3A = arith.constant 0 : i32
      %dma_start3A_40 = tpu.memref_slice %arg7[%arg0, %mul3A_12, %dma_start3A] : memref<2x10112x64xf32, #tpu.memory_space<hbm>> -> memref<1x632x64xf32, #tpu.memory_space<hbm>>
      %dma_start3A_41 = tpu.memref_squeeze %dma_start3A_40 : memref<1x632x64xf32, #tpu.memory_space<hbm>> -> memref<632x64xf32, #tpu.memory_space<hbm>>
      %dma_start3A_42 = arith.constant 0 : i32
      %dma_start3A_43 = tpu.memref_slice %arg14[%mul3A_12, %dma_start3A_42] : memref<10112x64xf32, #tpu.memory_space<vmem_shared>> -> memref<632x64xf32, #tpu.memory_space<vmem_shared>>
      tpu.enqueue_dma source(%dma_start3A_43 : memref<632x64xf32, #tpu.memory_space<vmem_shared>>) target(%dma_start3A_41 : memref<632x64xf32, #tpu.memory_space<hbm>>) target_semaphore(%run_scoped3A : memref<!tpu.dma_semaphore, #tpu.memory_space<semaphore_mem>>)
      %dma_wait3A = arith.constant 0 : i32
      %dma_wait3A_44 = tpu.memref_slice %arg7[%arg0, %mul3A_12, %dma_wait3A] : memref<2x10112x64xf32, #tpu.memory_space<hbm>> -> memref<1x632x64xf32, #tpu.memory_space<hbm>>
      %dma_wait3A_45 = tpu.memref_squeeze %dma_wait3A_44 : memref<1x632x64xf32, #tpu.memory_space<hbm>> -> memref<632x64xf32, #tpu.memory_space<hbm>>
      %dma_wait3A_46 = arith.constant 0 : i32
      %dma_wait3A_47 = tpu.memref_slice %arg14[%mul3A_12, %dma_wait3A_46] : memref<10112x64xf32, #tpu.memory_space<vmem_shared>> -> memref<632x64xf32, #tpu.memory_space<vmem_shared>>
      tpu.wait_dma2 semaphore(%run_scoped3A : memref<!tpu.dma_semaphore, #tpu.memory_space<semaphore_mem>>) src(%dma_wait3A_47 : memref<632x64xf32, #tpu.memory_space<vmem_shared>>) dst(%dma_wait3A_45 : memref<632x64xf32, #tpu.memory_space<hbm>>)
      tpu.yield
    }) : () -> ()
    "tpu.region"() ({
      %run_scoped3A = tpu.sem_alloc : memref<!tpu.dma_semaphore, #tpu.memory_space<semaphore_mem>>
      %dma_start3A = arith.constant 0 : i32
      %dma_start3A_40 = tpu.memref_slice %arg8[%arg0, %mul3A_12, %dma_start3A] : memref<2x10112x16xf32, #tpu.memory_space<hbm>> -> memref<1x632x16xf32, #tpu.memory_space<hbm>>
      %dma_start3A_41 = tpu.memref_squeeze %dma_start3A_40 : memref<1x632x16xf32, #tpu.memory_space<hbm>> -> memref<632x16xf32, #tpu.memory_space<hbm>>
      %dma_start3A_42 = arith.constant 0 : i32
      %dma_start3A_43 = tpu.memref_slice %arg19[%mul3A_12, %dma_start3A_42] : memref<10112x16xf32, #tpu.memory_space<vmem_shared>> -> memref<632x16xf32, #tpu.memory_space<vmem_shared>>
      tpu.enqueue_dma source(%dma_start3A_43 : memref<632x16xf32, #tpu.memory_space<vmem_shared>>) target(%dma_start3A_41 : memref<632x16xf32, #tpu.memory_space<hbm>>) target_semaphore(%run_scoped3A : memref<!tpu.dma_semaphore, #tpu.memory_space<semaphore_mem>>)
      %dma_wait3A = arith.constant 0 : i32
      %dma_wait3A_44 = tpu.memref_slice %arg8[%arg0, %mul3A_12, %dma_wait3A] : memref<2x10112x16xf32, #tpu.memory_space<hbm>> -> memref<1x632x16xf32, #tpu.memory_space<hbm>>
      %dma_wait3A_45 = tpu.memref_squeeze %dma_wait3A_44 : memref<1x632x16xf32, #tpu.memory_space<hbm>> -> memref<632x16xf32, #tpu.memory_space<hbm>>
      %dma_wait3A_46 = arith.constant 0 : i32
      %dma_wait3A_47 = tpu.memref_slice %arg19[%mul3A_12, %dma_wait3A_46] : memref<10112x16xf32, #tpu.memory_space<vmem_shared>> -> memref<632x16xf32, #tpu.memory_space<vmem_shared>>
      tpu.wait_dma2 semaphore(%run_scoped3A : memref<!tpu.dma_semaphore, #tpu.memory_space<semaphore_mem>>) src(%dma_wait3A_47 : memref<632x16xf32, #tpu.memory_space<vmem_shared>>) dst(%dma_wait3A_45 : memref<632x16xf32, #tpu.memory_space<hbm>>)
      tpu.yield
    }) : () -> ()
    return
  }
}

#map = affine_map<(d0, d1) -> (0, 0)>
#map1 = affine_map<(d0, d1) -> (0, 0, 0, 0)>
#map2 = affine_map<(d0, d1) -> (0, 0, 0)>
module attributes {stable_mosaic.version = 14 : i64} {
  func.func @k(%arg0: i32, %arg1: i32, %arg2: memref<10000x64xf32, #tpu.memory_space<hbm>>, %arg3: memref<256x64xf32, #tpu.memory_space<hbm>>, %arg4: memref<2x16x79x128xi32, #tpu.memory_space<hbm>>, %arg5: memref<2x16x79x128xi32, #tpu.memory_space<hbm>>, %arg6: memref<2x16x79x128xi32, #tpu.memory_space<hbm>>, %arg7: memref<2x10112x64xf32, #tpu.memory_space<hbm>>, %arg8: memref<79x128xi32, #tpu.memory_space<vmem>>, %arg9: memref<79x128xi32, #tpu.memory_space<vmem>>, %arg10: memref<79x128xi32, #tpu.memory_space<vmem>>, %arg11: memref<128x64xf32, #tpu.memory_space<vmem>>, %arg12: memref<128x64xf32, #tpu.memory_space<vmem>>, %arg13: memref<10112x64xf32, #tpu.memory_space<vmem_shared>>, %arg14: memref<!tpu.dma_semaphore, #tpu.memory_space<semaphore_mem>>, %arg15: memref<!tpu.dma_semaphore, #tpu.memory_space<semaphore_mem>>) attributes {dimension_semantics = [#tpu.dimension_semantics<core_parallel>, #tpu.dimension_semantics<subcore_parallel>], iteration_bounds = array<i64: 2, 16>, scalar_prefetch = 0 : i64, scratch_operands = 8 : i64, tpu.core_type = #tpu.core_type<sc_vector_subcore>, window_params = [{transform_indices = #map}, {transform_indices = #map}, {transform_indices = #map1}, {transform_indices = #map1}, {transform_indices = #map1}, {transform_indices = #map2}]} {
    %broadcast_in_dim3A = arith.constant 0.000000e+00 : f32
    %broadcast_in_dim3A_0 = vector.broadcast %broadcast_in_dim3A : f32 to vector<16xf32>
    %iota3A = tpu.iota {dimensions = array<i32: 0>} : vector<16xi32>
    %eq3A = arith.constant 0 : i32
    %eq3A_1 = vector.broadcast %eq3A : i32 to vector<16xi32>
    %eq3A_2 = arith.cmpi eq, %iota3A, %eq3A_1 : vector<16xi32>
    %jit3A = arith.constant 1.000000e+00 : f32
    %jit3A_3 = arith.constant 0.000000e+00 : f32
    %broadcast_in_dim3A_4 = vector.broadcast %jit3A : f32 to vector<16xf32>
    %broadcast_in_dim3A_5 = vector.broadcast %jit3A_3 : f32 to vector<16xf32>
    %select_n3A = arith.select %eq3A_2, %broadcast_in_dim3A_4, %broadcast_in_dim3A_5 : vector<16xi1>, vector<16xf32>
    %scan3A = arith.constant 0 : i32
    %scan3A_6 = arith.constant 0 : i32
    %scan3A_7 = arith.constant 128 : i32
    %scan3A_8 = arith.addi %scan3A_6, %scan3A_7 : i32
    %scan3A_9 = arith.constant 1 : i32
    %scan3A_10 = scf.for %scan3A_30 = %scan3A_6 to %scan3A_8 step %scan3A_9 iter_args(%scan3A_31 = %scan3A) -> (i32)  : i32 {
      %swap3A = arith.index_cast %scan3A_30 : i32 to index
      %swap3A_32 = arith.constant 0 : index
      %swap3A_33 = tpu.vector_load %arg11[%swap3A, %swap3A_32] {strides = array<i32>} : memref<128x64xf32, #tpu.memory_space<vmem>>, vector<1x16xf32>,
      %swap3A_34 = vector.shape_cast %swap3A_33 : vector<1x16xf32> to vector<16xf32>
      %swap3A_35 = vector.shape_cast %broadcast_in_dim3A_0 : vector<16xf32> to vector<1x16xf32>
      tpu.vector_store %arg11[%swap3A, %swap3A_32], %swap3A_35 {strides = array<i32>} : memref<128x64xf32, #tpu.memory_space<vmem>>, vector<1x16xf32>,
      %swap3A_36 = arith.index_cast %scan3A_30 : i32 to index
      %swap3A_37 = arith.constant 16 : index
      %swap3A_38 = tpu.vector_load %arg11[%swap3A_36, %swap3A_37] {strides = array<i32>} : memref<128x64xf32, #tpu.memory_space<vmem>>, vector<1x16xf32>,
      %swap3A_39 = vector.shape_cast %swap3A_38 : vector<1x16xf32> to vector<16xf32>
      %swap3A_40 = vector.shape_cast %broadcast_in_dim3A_0 : vector<16xf32> to vector<1x16xf32>
      tpu.vector_store %arg11[%swap3A_36, %swap3A_37], %swap3A_40 {strides = array<i32>} : memref<128x64xf32, #tpu.memory_space<vmem>>, vector<1x16xf32>,
      %swap3A_41 = arith.index_cast %scan3A_30 : i32 to index
      %swap3A_42 = arith.constant 32 : index
      %swap3A_43 = tpu.vector_load %arg11[%swap3A_41, %swap3A_42] {strides = array<i32>} : memref<128x64xf32, #tpu.memory_space<vmem>>, vector<1x16xf32>,
      %swap3A_44 = vector.shape_cast %swap3A_43 : vector<1x16xf32> to vector<16xf32>
      %swap3A_45 = vector.shape_cast %broadcast_in_dim3A_0 : vector<16xf32> to vector<1x16xf32>
      tpu.vector_store %arg11[%swap3A_41, %swap3A_42], %swap3A_45 {strides = array<i32>} : memref<128x64xf32, #tpu.memory_space<vmem>>, vector<1x16xf32>,
      %swap3A_46 = arith.index_cast %scan3A_30 : i32 to index
      %swap3A_47 = arith.constant 48 : index
      %swap3A_48 = tpu.vector_load %arg11[%swap3A_46, %swap3A_47] {strides = array<i32>} : memref<128x64xf32, #tpu.memory_space<vmem>>, vector<1x16xf32>,
      %swap3A_49 = vector.shape_cast %swap3A_48 : vector<1x16xf32> to vector<16xf32>
      %swap3A_50 = vector.shape_cast %broadcast_in_dim3A_0 : vector<16xf32> to vector<1x16xf32>
      tpu.vector_store %arg11[%swap3A_46, %swap3A_47], %swap3A_50 {strides = array<i32>} : memref<128x64xf32, #tpu.memory_space<vmem>>, vector<1x16xf32>,
      %scan3A_51 = arith.constant 0 : i32
      scf.yield %scan3A_51 : i32
    }
    %scan3A_11 = arith.constant 128 : i32
    %mul3A = arith.constant 632 : i32
    %mul3A_12 = arith.muli %arg1, %mul3A : i32
    %add3A = arith.constant 0 : i32
    %add3A_13 = arith.addi %mul3A_12, %add3A : i32
    "tpu.region"() ({
      %run_scoped3A = tpu.sem_alloc : memref<!tpu.dma_semaphore, #tpu.memory_space<semaphore_mem>>
      %dma_start3A = arith.constant 0 : i32
      %dma_start3A_30 = tpu.memref_slice %arg13[%add3A_13, %dma_start3A] : memref<10112x64xf32, #tpu.memory_space<vmem_shared>> -> memref<128x64xf32, #tpu.memory_space<vmem_shared>>
      %dma_start3A_31 = arith.constant 0 : i32
      %dma_start3A_32 = tpu.memref_slice %arg13[%add3A_13, %dma_start3A_31] : memref<10112x64xf32, #tpu.memory_space<vmem_shared>> -> memref<128x64xf32, #tpu.memory_space<vmem_shared>>
      tpu.enqueue_dma source(%arg11 : memref<128x64xf32, #tpu.memory_space<vmem>>) target(%dma_start3A_32 : memref<128x64xf32, #tpu.memory_space<vmem_shared>>) target_semaphore(%run_scoped3A : memref<!tpu.dma_semaphore, #tpu.memory_space<semaphore_mem>>)
      %dma_wait3A = arith.constant 0 : i32
      %dma_wait3A_33 = tpu.memref_slice %arg13[%add3A_13, %dma_wait3A] : memref<10112x64xf32, #tpu.memory_space<vmem_shared>> -> memref<128x64xf32, #tpu.memory_space<vmem_shared>>
      %dma_wait3A_34 = arith.constant 0 : i32
      %dma_wait3A_35 = tpu.memref_slice %arg13[%add3A_13, %dma_wait3A_34] : memref<10112x64xf32, #tpu.memory_space<vmem_shared>> -> memref<128x64xf32, #tpu.memory_space<vmem_shared>>
      tpu.wait_dma2 semaphore(%run_scoped3A : memref<!tpu.dma_semaphore, #tpu.memory_space<semaphore_mem>>) src(%arg11 : memref<128x64xf32, #tpu.memory_space<vmem>>) dst(%dma_wait3A_35 : memref<128x64xf32, #tpu.memory_space<vmem_shared>>)
      tpu.yield
    }) : () -> ()
    %add3A_14 = arith.constant 128 : i32
    %add3A_15 = arith.addi %mul3A_12, %add3A_14 : i32
    "tpu.region"() ({
      %run_scoped3A = tpu.sem_alloc : memref<!tpu.dma_semaphore, #tpu.memory_space<semaphore_mem>>
      %dma_start3A = arith.constant 0 : i32
      %dma_start3A_30 = tpu.memref_slice %arg13[%add3A_15, %dma_start3A] : memref<10112x64xf32, #tpu.memory_space<vmem_shared>> -> memref<128x64xf32, #tpu.memory_space<vmem_shared>>
      %dma_start3A_31 = arith.constant 0 : i32
      %dma_start3A_32 = tpu.memref_slice %arg13[%add3A_15, %dma_start3A_31] : memref<10112x64xf32, #tpu.memory_space<vmem_shared>> -> memref<128x64xf32, #tpu.memory_space<vmem_shared>>
      tpu.enqueue_dma source(%arg11 : memref<128x64xf32, #tpu.memory_space<vmem>>) target(%dma_start3A_32 : memref<128x64xf32, #tpu.memory_space<vmem_shared>>) target_semaphore(%run_scoped3A : memref<!tpu.dma_semaphore, #tpu.memory_space<semaphore_mem>>)
      %dma_wait3A = arith.constant 0 : i32
      %dma_wait3A_33 = tpu.memref_slice %arg13[%add3A_15, %dma_wait3A] : memref<10112x64xf32, #tpu.memory_space<vmem_shared>> -> memref<128x64xf32, #tpu.memory_space<vmem_shared>>
      %dma_wait3A_34 = arith.constant 0 : i32
      %dma_wait3A_35 = tpu.memref_slice %arg13[%add3A_15, %dma_wait3A_34] : memref<10112x64xf32, #tpu.memory_space<vmem_shared>> -> memref<128x64xf32, #tpu.memory_space<vmem_shared>>
      tpu.wait_dma2 semaphore(%run_scoped3A : memref<!tpu.dma_semaphore, #tpu.memory_space<semaphore_mem>>) src(%arg11 : memref<128x64xf32, #tpu.memory_space<vmem>>) dst(%dma_wait3A_35 : memref<128x64xf32, #tpu.memory_space<vmem_shared>>)
      tpu.yield
    }) : () -> ()
    %add3A_16 = arith.constant 256 : i32
    %add3A_17 = arith.addi %mul3A_12, %add3A_16 : i32
    "tpu.region"() ({
      %run_scoped3A = tpu.sem_alloc : memref<!tpu.dma_semaphore, #tpu.memory_space<semaphore_mem>>
      %dma_start3A = arith.constant 0 : i32
      %dma_start3A_30 = tpu.memref_slice %arg13[%add3A_17, %dma_start3A] : memref<10112x64xf32, #tpu.memory_space<vmem_shared>> -> memref<128x64xf32, #tpu.memory_space<vmem_shared>>
      %dma_start3A_31 = arith.constant 0 : i32
      %dma_start3A_32 = tpu.memref_slice %arg13[%add3A_17, %dma_start3A_31] : memref<10112x64xf32, #tpu.memory_space<vmem_shared>> -> memref<128x64xf32, #tpu.memory_space<vmem_shared>>
      tpu.enqueue_dma source(%arg11 : memref<128x64xf32, #tpu.memory_space<vmem>>) target(%dma_start3A_32 : memref<128x64xf32, #tpu.memory_space<vmem_shared>>) target_semaphore(%run_scoped3A : memref<!tpu.dma_semaphore, #tpu.memory_space<semaphore_mem>>)
      %dma_wait3A = arith.constant 0 : i32
      %dma_wait3A_33 = tpu.memref_slice %arg13[%add3A_17, %dma_wait3A] : memref<10112x64xf32, #tpu.memory_space<vmem_shared>> -> memref<128x64xf32, #tpu.memory_space<vmem_shared>>
      %dma_wait3A_34 = arith.constant 0 : i32
      %dma_wait3A_35 = tpu.memref_slice %arg13[%add3A_17, %dma_wait3A_34] : memref<10112x64xf32, #tpu.memory_space<vmem_shared>> -> memref<128x64xf32, #tpu.memory_space<vmem_shared>>
      tpu.wait_dma2 semaphore(%run_scoped3A : memref<!tpu.dma_semaphore, #tpu.memory_space<semaphore_mem>>) src(%arg11 : memref<128x64xf32, #tpu.memory_space<vmem>>) dst(%dma_wait3A_35 : memref<128x64xf32, #tpu.memory_space<vmem_shared>>)
      tpu.yield
    }) : () -> ()
    %add3A_18 = arith.constant 384 : i32
    %add3A_19 = arith.addi %mul3A_12, %add3A_18 : i32
    "tpu.region"() ({
      %run_scoped3A = tpu.sem_alloc : memref<!tpu.dma_semaphore, #tpu.memory_space<semaphore_mem>>
      %dma_start3A = arith.constant 0 : i32
      %dma_start3A_30 = tpu.memref_slice %arg13[%add3A_19, %dma_start3A] : memref<10112x64xf32, #tpu.memory_space<vmem_shared>> -> memref<128x64xf32, #tpu.memory_space<vmem_shared>>
      %dma_start3A_31 = arith.constant 0 : i32
      %dma_start3A_32 = tpu.memref_slice %arg13[%add3A_19, %dma_start3A_31] : memref<10112x64xf32, #tpu.memory_space<vmem_shared>> -> memref<128x64xf32, #tpu.memory_space<vmem_shared>>
      tpu.enqueue_dma source(%arg11 : memref<128x64xf32, #tpu.memory_space<vmem>>) target(%dma_start3A_32 : memref<128x64xf32, #tpu.memory_space<vmem_shared>>) target_semaphore(%run_scoped3A : memref<!tpu.dma_semaphore, #tpu.memory_space<semaphore_mem>>)
      %dma_wait3A = arith.constant 0 : i32
      %dma_wait3A_33 = tpu.memref_slice %arg13[%add3A_19, %dma_wait3A] : memref<10112x64xf32, #tpu.memory_space<vmem_shared>> -> memref<128x64xf32, #tpu.memory_space<vmem_shared>>
      %dma_wait3A_34 = arith.constant 0 : i32
      %dma_wait3A_35 = tpu.memref_slice %arg13[%add3A_19, %dma_wait3A_34] : memref<10112x64xf32, #tpu.memory_space<vmem_shared>> -> memref<128x64xf32, #tpu.memory_space<vmem_shared>>
      tpu.wait_dma2 semaphore(%run_scoped3A : memref<!tpu.dma_semaphore, #tpu.memory_space<semaphore_mem>>) src(%arg11 : memref<128x64xf32, #tpu.memory_space<vmem>>) dst(%dma_wait3A_35 : memref<128x64xf32, #tpu.memory_space<vmem_shared>>)
      tpu.yield
    }) : () -> ()
    %add3A_20 = arith.constant 512 : i32
    %add3A_21 = arith.addi %mul3A_12, %add3A_20 : i32
    "tpu.region"() ({
      %run_scoped3A = tpu.sem_alloc : memref<!tpu.dma_semaphore, #tpu.memory_space<semaphore_mem>>
      %dma_start3A = arith.constant 0 : i32
      %dma_start3A_30 = arith.constant 0 : i32
      %dma_start3A_31 = tpu.memref_slice %arg11[%dma_start3A, %dma_start3A_30] : memref<128x64xf32, #tpu.memory_space<vmem>> -> memref<120x64xf32, #tpu.memory_space<vmem>>
      %dma_start3A_32 = arith.constant 0 : i32
      %dma_start3A_33 = tpu.memref_slice %arg13[%add3A_21, %dma_start3A_32] : memref<10112x64xf32, #tpu.memory_space<vmem_shared>> -> memref<120x64xf32, #tpu.memory_space<vmem_shared>>
      %dma_start3A_34 = arith.constant 0 : i32
      %dma_start3A_35 = tpu.memref_slice %arg13[%add3A_21, %dma_start3A_34] : memref<10112x64xf32, #tpu.memory_space<vmem_shared>> -> memref<120x64xf32, #tpu.memory_space<vmem_shared>>
      %dma_start3A_36 = arith.constant 0 : i32
      %dma_start3A_37 = arith.constant 0 : i32
      %dma_start3A_38 = tpu.memref_slice %arg11[%dma_start3A_36, %dma_start3A_37] : memref<128x64xf32, #tpu.memory_space<vmem>> -> memref<120x64xf32, #tpu.memory_space<vmem>>
      tpu.enqueue_dma source(%dma_start3A_38 : memref<120x64xf32, #tpu.memory_space<vmem>>) target(%dma_start3A_35 : memref<120x64xf32, #tpu.memory_space<vmem_shared>>) target_semaphore(%run_scoped3A : memref<!tpu.dma_semaphore, #tpu.memory_space<semaphore_mem>>)
      %dma_wait3A = arith.constant 0 : i32
      %dma_wait3A_39 = arith.constant 0 : i32
      %dma_wait3A_40 = tpu.memref_slice %arg11[%dma_wait3A, %dma_wait3A_39] : memref<128x64xf32, #tpu.memory_space<vmem>> -> memref<120x64xf32, #tpu.memory_space<vmem>>
      %dma_wait3A_41 = arith.constant 0 : i32
      %dma_wait3A_42 = tpu.memref_slice %arg13[%add3A_21, %dma_wait3A_41] : memref<10112x64xf32, #tpu.memory_space<vmem_shared>> -> memref<120x64xf32, #tpu.memory_space<vmem_shared>>
      %dma_wait3A_43 = arith.constant 0 : i32
      %dma_wait3A_44 = tpu.memref_slice %arg13[%add3A_21, %dma_wait3A_43] : memref<10112x64xf32, #tpu.memory_space<vmem_shared>> -> memref<120x64xf32, #tpu.memory_space<vmem_shared>>
      %dma_wait3A_45 = arith.constant 0 : i32
      %dma_wait3A_46 = arith.constant 0 : i32
      %dma_wait3A_47 = tpu.memref_slice %arg11[%dma_wait3A_45, %dma_wait3A_46] : memref<128x64xf32, #tpu.memory_space<vmem>> -> memref<120x64xf32, #tpu.memory_space<vmem>>
      tpu.wait_dma2 semaphore(%run_scoped3A : memref<!tpu.dma_semaphore, #tpu.memory_space<semaphore_mem>>) src(%dma_wait3A_47 : memref<120x64xf32, #tpu.memory_space<vmem>>) dst(%dma_wait3A_44 : memref<120x64xf32, #tpu.memory_space<vmem_shared>>)
      tpu.yield
    }) : () -> ()
    %barrier3A = arith.constant 0 : index
    tpu.barrier barrier_id(%barrier3A)
    "tpu.region"() ({
      %run_scoped3A = tpu.sem_alloc : memref<!tpu.dma_semaphore, #tpu.memory_space<semaphore_mem>>
      %dma_start3A = arith.constant 0 : i32
      %dma_start3A_30 = arith.constant 0 : i32
      %dma_start3A_31 = tpu.memref_slice %arg4[%arg0, %arg1, %dma_start3A, %dma_start3A_30] : memref<2x16x79x128xi32, #tpu.memory_space<hbm>> -> memref<1x1x79x128xi32, #tpu.memory_space<hbm>>
      %dma_start3A_32 = tpu.memref_squeeze %dma_start3A_31 : memref<1x1x79x128xi32, #tpu.memory_space<hbm>> -> memref<79x128xi32, #tpu.memory_space<hbm>>
      %dma_start3A_33 = arith.constant 0 : i32
      %dma_start3A_34 = arith.constant 0 : i32
      %dma_start3A_35 = tpu.memref_slice %arg4[%arg0, %arg1, %dma_start3A_33, %dma_start3A_34] : memref<2x16x79x128xi32, #tpu.memory_space<hbm>> -> memref<1x1x79x128xi32, #tpu.memory_space<hbm>>
      %dma_start3A_36 = tpu.memref_squeeze %dma_start3A_35 : memref<1x1x79x128xi32, #tpu.memory_space<hbm>> -> memref<79x128xi32, #tpu.memory_space<hbm>>
      tpu.enqueue_dma source(%dma_start3A_36 : memref<79x128xi32, #tpu.memory_space<hbm>>) target(%arg8 : memref<79x128xi32, #tpu.memory_space<vmem>>) target_semaphore(%run_scoped3A : memref<!tpu.dma_semaphore, #tpu.memory_space<semaphore_mem>>)
      %dma_wait3A = arith.constant 0 : i32
      %dma_wait3A_37 = arith.constant 0 : i32
      %dma_wait3A_38 = tpu.memref_slice %arg4[%arg0, %arg1, %dma_wait3A, %dma_wait3A_37] : memref<2x16x79x128xi32, #tpu.memory_space<hbm>> -> memref<1x1x79x128xi32, #tpu.memory_space<hbm>>
      %dma_wait3A_39 = tpu.memref_squeeze %dma_wait3A_38 : memref<1x1x79x128xi32, #tpu.memory_space<hbm>> -> memref<79x128xi32, #tpu.memory_space<hbm>>
      %dma_wait3A_40 = arith.constant 0 : i32
      %dma_wait3A_41 = arith.constant 0 : i32
      %dma_wait3A_42 = tpu.memref_slice %arg4[%arg0, %arg1, %dma_wait3A_40, %dma_wait3A_41] : memref<2x16x79x128xi32, #tpu.memory_space<hbm>> -> memref<1x1x79x128xi32, #tpu.memory_space<hbm>>
      %dma_wait3A_43 = tpu.memref_squeeze %dma_wait3A_42 : memref<1x1x79x128xi32, #tpu.memory_space<hbm>> -> memref<79x128xi32, #tpu.memory_space<hbm>>
      tpu.wait_dma2 semaphore(%run_scoped3A : memref<!tpu.dma_semaphore, #tpu.memory_space<semaphore_mem>>) src(%dma_wait3A_43 : memref<79x128xi32, #tpu.memory_space<hbm>>) dst(%arg8 : memref<79x128xi32, #tpu.memory_space<vmem>>)
      tpu.yield
    }) : () -> ()
    "tpu.region"() ({
      %run_scoped3A = tpu.sem_alloc : memref<!tpu.dma_semaphore, #tpu.memory_space<semaphore_mem>>
      %dma_start3A = arith.constant 0 : i32
      %dma_start3A_30 = arith.constant 0 : i32
      %dma_start3A_31 = tpu.memref_slice %arg5[%arg0, %arg1, %dma_start3A, %dma_start3A_30] : memref<2x16x79x128xi32, #tpu.memory_space<hbm>> -> memref<1x1x79x128xi32, #tpu.memory_space<hbm>>
      %dma_start3A_32 = tpu.memref_squeeze %dma_start3A_31 : memref<1x1x79x128xi32, #tpu.memory_space<hbm>> -> memref<79x128xi32, #tpu.memory_space<hbm>>
      %dma_start3A_33 = arith.constant 0 : i32
      %dma_start3A_34 = arith.constant 0 : i32
      %dma_start3A_35 = tpu.memref_slice %arg5[%arg0, %arg1, %dma_start3A_33, %dma_start3A_34] : memref<2x16x79x128xi32, #tpu.memory_space<hbm>> -> memref<1x1x79x128xi32, #tpu.memory_space<hbm>>
      %dma_start3A_36 = tpu.memref_squeeze %dma_start3A_35 : memref<1x1x79x128xi32, #tpu.memory_space<hbm>> -> memref<79x128xi32, #tpu.memory_space<hbm>>
      tpu.enqueue_dma source(%dma_start3A_36 : memref<79x128xi32, #tpu.memory_space<hbm>>) target(%arg9 : memref<79x128xi32, #tpu.memory_space<vmem>>) target_semaphore(%run_scoped3A : memref<!tpu.dma_semaphore, #tpu.memory_space<semaphore_mem>>)
      %dma_wait3A = arith.constant 0 : i32
      %dma_wait3A_37 = arith.constant 0 : i32
      %dma_wait3A_38 = tpu.memref_slice %arg5[%arg0, %arg1, %dma_wait3A, %dma_wait3A_37] : memref<2x16x79x128xi32, #tpu.memory_space<hbm>> -> memref<1x1x79x128xi32, #tpu.memory_space<hbm>>
      %dma_wait3A_39 = tpu.memref_squeeze %dma_wait3A_38 : memref<1x1x79x128xi32, #tpu.memory_space<hbm>> -> memref<79x128xi32, #tpu.memory_space<hbm>>
      %dma_wait3A_40 = arith.constant 0 : i32
      %dma_wait3A_41 = arith.constant 0 : i32
      %dma_wait3A_42 = tpu.memref_slice %arg5[%arg0, %arg1, %dma_wait3A_40, %dma_wait3A_41] : memref<2x16x79x128xi32, #tpu.memory_space<hbm>> -> memref<1x1x79x128xi32, #tpu.memory_space<hbm>>
      %dma_wait3A_43 = tpu.memref_squeeze %dma_wait3A_42 : memref<1x1x79x128xi32, #tpu.memory_space<hbm>> -> memref<79x128xi32, #tpu.memory_space<hbm>>
      tpu.wait_dma2 semaphore(%run_scoped3A : memref<!tpu.dma_semaphore, #tpu.memory_space<semaphore_mem>>) src(%dma_wait3A_43 : memref<79x128xi32, #tpu.memory_space<hbm>>) dst(%arg9 : memref<79x128xi32, #tpu.memory_space<vmem>>)
      tpu.yield
    }) : () -> ()
    "tpu.region"() ({
      %run_scoped3A = tpu.sem_alloc : memref<!tpu.dma_semaphore, #tpu.memory_space<semaphore_mem>>
      %dma_start3A = arith.constant 0 : i32
      %dma_start3A_30 = arith.constant 0 : i32
      %dma_start3A_31 = tpu.memref_slice %arg6[%arg0, %arg1, %dma_start3A, %dma_start3A_30] : memref<2x16x79x128xi32, #tpu.memory_space<hbm>> -> memref<1x1x79x128xi32, #tpu.memory_space<hbm>>
      %dma_start3A_32 = tpu.memref_squeeze %dma_start3A_31 : memref<1x1x79x128xi32, #tpu.memory_space<hbm>> -> memref<79x128xi32, #tpu.memory_space<hbm>>
      %dma_start3A_33 = arith.constant 0 : i32
      %dma_start3A_34 = arith.constant 0 : i32
      %dma_start3A_35 = tpu.memref_slice %arg6[%arg0, %arg1, %dma_start3A_33, %dma_start3A_34] : memref<2x16x79x128xi32, #tpu.memory_space<hbm>> -> memref<1x1x79x128xi32, #tpu.memory_space<hbm>>
      %dma_start3A_36 = tpu.memref_squeeze %dma_start3A_35 : memref<1x1x79x128xi32, #tpu.memory_space<hbm>> -> memref<79x128xi32, #tpu.memory_space<hbm>>
      tpu.enqueue_dma source(%dma_start3A_36 : memref<79x128xi32, #tpu.memory_space<hbm>>) target(%arg10 : memref<79x128xi32, #tpu.memory_space<vmem>>) target_semaphore(%run_scoped3A : memref<!tpu.dma_semaphore, #tpu.memory_space<semaphore_mem>>)
      %dma_wait3A = arith.constant 0 : i32
      %dma_wait3A_37 = arith.constant 0 : i32
      %dma_wait3A_38 = tpu.memref_slice %arg6[%arg0, %arg1, %dma_wait3A, %dma_wait3A_37] : memref<2x16x79x128xi32, #tpu.memory_space<hbm>> -> memref<1x1x79x128xi32, #tpu.memory_space<hbm>>
      %dma_wait3A_39 = tpu.memref_squeeze %dma_wait3A_38 : memref<1x1x79x128xi32, #tpu.memory_space<hbm>> -> memref<79x128xi32, #tpu.memory_space<hbm>>
      %dma_wait3A_40 = arith.constant 0 : i32
      %dma_wait3A_41 = arith.constant 0 : i32
      %dma_wait3A_42 = tpu.memref_slice %arg6[%arg0, %arg1, %dma_wait3A_40, %dma_wait3A_41] : memref<2x16x79x128xi32, #tpu.memory_space<hbm>> -> memref<1x1x79x128xi32, #tpu.memory_space<hbm>>
      %dma_wait3A_43 = tpu.memref_squeeze %dma_wait3A_42 : memref<1x1x79x128xi32, #tpu.memory_space<hbm>> -> memref<79x128xi32, #tpu.memory_space<hbm>>
      tpu.wait_dma2 semaphore(%run_scoped3A : memref<!tpu.dma_semaphore, #tpu.memory_space<semaphore_mem>>) src(%dma_wait3A_43 : memref<79x128xi32, #tpu.memory_space<hbm>>) dst(%arg10 : memref<79x128xi32, #tpu.memory_space<vmem>>)
      tpu.yield
    }) : () -> ()
    %scan3A_22 = arith.constant 0 : i32
    %scan3A_23 = arith.constant 0 : i32
    %scan3A_24 = arith.constant 79 : i32
    %scan3A_25 = arith.addi %scan3A_23, %scan3A_24 : i32
    %scan3A_26 = arith.constant 1 : i32
    %scan3A_27 = scf.for %scan3A_30 = %scan3A_23 to %scan3A_25 step %scan3A_26 iter_args(%scan3A_31 = %scan3A_22) -> (i32)  : i32 {
      %dma_start3A = arith.constant 0 : i32
      %dma_start3A_32 = tpu.memref_slice %arg8[%scan3A_30, %dma_start3A] : memref<79x128xi32, #tpu.memory_space<vmem>> -> memref<1x128xi32, #tpu.memory_space<vmem>>
      %dma_start3A_33 = tpu.memref_squeeze %dma_start3A_32 : memref<1x128xi32, #tpu.memory_space<vmem>> -> memref<128xi32, #tpu.memory_space<vmem>>
      %dma_start3A_34 = arith.constant 0 : i32
      %dma_start3A_35 = arith.constant 0 : i32
      %dma_start3A_36 = tpu.memref_slice %arg2[%dma_start3A_34, %dma_start3A_35] : memref<10000x64xf32, #tpu.memory_space<hbm>> -> memref<10000x64xf32, #tpu.memory_space<hbm>>
      tpu.enqueue_indirect_dma source(%dma_start3A_36 : memref<10000x64xf32, #tpu.memory_space<hbm>>) target(%arg11 : memref<128x64xf32, #tpu.memory_space<vmem>>) offsets(%dma_start3A_33 : memref<128xi32, #tpu.memory_space<vmem>>) semaphore(%arg14 : memref<!tpu.dma_semaphore, #tpu.memory_space<semaphore_mem>>)
      %dma_start3A_37 = arith.constant 0 : i32
      %dma_start3A_38 = tpu.memref_slice %arg10[%scan3A_30, %dma_start3A_37] : memref<79x128xi32, #tpu.memory_space<vmem>> -> memref<1x128xi32, #tpu.memory_space<vmem>>
      %dma_start3A_39 = tpu.memref_squeeze %dma_start3A_38 : memref<1x128xi32, #tpu.memory_space<vmem>> -> memref<128xi32, #tpu.memory_space<vmem>>
      %dma_start3A_40 = arith.constant 0 : i32
      %dma_start3A_41 = arith.constant 0 : i32
      %dma_start3A_42 = tpu.memref_slice %arg3[%dma_start3A_40, %dma_start3A_41] : memref<256x64xf32, #tpu.memory_space<hbm>> -> memref<256x64xf32, #tpu.memory_space<hbm>>
      tpu.enqueue_indirect_dma source(%dma_start3A_42 : memref<256x64xf32, #tpu.memory_space<hbm>>) target(%arg12 : memref<128x64xf32, #tpu.memory_space<vmem>>) offsets(%dma_start3A_39 : memref<128xi32, #tpu.memory_space<vmem>>) semaphore(%arg15 : memref<!tpu.dma_semaphore, #tpu.memory_space<semaphore_mem>>)
      %dma_wait3A = arith.constant 0 : i32
      %dma_wait3A_43 = tpu.memref_slice %arg8[%scan3A_30, %dma_wait3A] : memref<79x128xi32, #tpu.memory_space<vmem>> -> memref<1x128xi32, #tpu.memory_space<vmem>>
      %dma_wait3A_44 = tpu.memref_squeeze %dma_wait3A_43 : memref<1x128xi32, #tpu.memory_space<vmem>> -> memref<128xi32, #tpu.memory_space<vmem>>
      %dma_wait3A_45 = arith.constant 0 : i32
      %dma_wait3A_46 = arith.constant 0 : i32
      %dma_wait3A_47 = tpu.memref_slice %arg2[%dma_wait3A_45, %dma_wait3A_46] : memref<10000x64xf32, #tpu.memory_space<hbm>> -> memref<10000x64xf32, #tpu.memory_space<hbm>>
      tpu.wait_indirect_dma semaphore(%arg14 : memref<!tpu.dma_semaphore, #tpu.memory_space<semaphore_mem>>) src(%dma_wait3A_47 : memref<10000x64xf32, #tpu.memory_space<hbm>>) dst(%arg11 : memref<128x64xf32, #tpu.memory_space<vmem>>)
      %dma_wait3A_48 = arith.constant 0 : i32
      %dma_wait3A_49 = tpu.memref_slice %arg10[%scan3A_30, %dma_wait3A_48] : memref<79x128xi32, #tpu.memory_space<vmem>> -> memref<1x128xi32, #tpu.memory_space<vmem>>
      %dma_wait3A_50 = tpu.memref_squeeze %dma_wait3A_49 : memref<1x128xi32, #tpu.memory_space<vmem>> -> memref<128xi32, #tpu.memory_space<vmem>>
      %dma_wait3A_51 = arith.constant 0 : i32
      %dma_wait3A_52 = arith.constant 0 : i32
      %dma_wait3A_53 = tpu.memref_slice %arg3[%dma_wait3A_51, %dma_wait3A_52] : memref<256x64xf32, #tpu.memory_space<hbm>> -> memref<256x64xf32, #tpu.memory_space<hbm>>
      tpu.wait_indirect_dma semaphore(%arg15 : memref<!tpu.dma_semaphore, #tpu.memory_space<semaphore_mem>>) src(%dma_wait3A_53 : memref<256x64xf32, #tpu.memory_space<hbm>>) dst(%arg12 : memref<128x64xf32, #tpu.memory_space<vmem>>)
      "tpu.region"() ({
        %run_scoped3A = tpu.sem_alloc : memref<!tpu.dma_semaphore, #tpu.memory_space<semaphore_mem>>
        %dma_start3A_55 = arith.constant 0 : i32
        %dma_start3A_56 = tpu.memref_slice %arg9[%scan3A_30, %dma_start3A_55] : memref<79x128xi32, #tpu.memory_space<vmem>> -> memref<1x128xi32, #tpu.memory_space<vmem>>
        %dma_start3A_57 = tpu.memref_squeeze %dma_start3A_56 : memref<1x128xi32, #tpu.memory_space<vmem>> -> memref<128xi32, #tpu.memory_space<vmem>>
        %dma_start3A_58 = arith.constant 0 : i32
        %dma_start3A_59 = arith.constant 0 : i32
        %dma_start3A_60 = tpu.memref_slice %arg13[%dma_start3A_58, %dma_start3A_59] : memref<10112x64xf32, #tpu.memory_space<vmem_shared>> -> memref<10112x64xf32, #tpu.memory_space<vmem_shared>>
        tpu.enqueue_indirect_dma source(%arg11 : memref<128x64xf32, #tpu.memory_space<vmem>>) target(%dma_start3A_60 : memref<10112x64xf32, #tpu.memory_space<vmem_shared>>) offsets(%dma_start3A_57 : memref<128xi32, #tpu.memory_space<vmem>>) semaphore(%run_scoped3A : memref<!tpu.dma_semaphore, #tpu.memory_space<semaphore_mem>>) {add = true}
        %dma_wait3A_61 = arith.constant 0 : i32
        %dma_wait3A_62 = tpu.memref_slice %arg9[%scan3A_30, %dma_wait3A_61] : memref<79x128xi32, #tpu.memory_space<vmem>> -> memref<1x128xi32, #tpu.memory_space<vmem>>
        %dma_wait3A_63 = tpu.memref_squeeze %dma_wait3A_62 : memref<1x128xi32, #tpu.memory_space<vmem>> -> memref<128xi32, #tpu.memory_space<vmem>>
        %dma_wait3A_64 = arith.constant 0 : i32
        %dma_wait3A_65 = arith.constant 0 : i32
        %dma_wait3A_66 = tpu.memref_slice %arg13[%dma_wait3A_64, %dma_wait3A_65] : memref<10112x64xf32, #tpu.memory_space<vmem_shared>> -> memref<10112x64xf32, #tpu.memory_space<vmem_shared>>
        tpu.wait_indirect_dma semaphore(%run_scoped3A : memref<!tpu.dma_semaphore, #tpu.memory_space<semaphore_mem>>) src(%arg11 : memref<128x64xf32, #tpu.memory_space<vmem>>) dst(%dma_wait3A_66 : memref<10112x64xf32, #tpu.memory_space<vmem_shared>>)
        tpu.yield
      }) : () -> ()
      "tpu.region"() ({
        %run_scoped3A = tpu.sem_alloc : memref<!tpu.dma_semaphore, #tpu.memory_space<semaphore_mem>>
        %dma_start3A_55 = arith.constant 0 : i32
        %dma_start3A_56 = tpu.memref_slice %arg9[%scan3A_30, %dma_start3A_55] : memref<79x128xi32, #tpu.memory_space<vmem>> -> memref<1x128xi32, #tpu.memory_space<vmem>>
        %dma_start3A_57 = tpu.memref_squeeze %dma_start3A_56 : memref<1x128xi32, #tpu.memory_space<vmem>> -> memref<128xi32, #tpu.memory_space<vmem>>
        %dma_start3A_58 = arith.constant 0 : i32
        %dma_start3A_59 = arith.constant 0 : i32
        %dma_start3A_60 = tpu.memref_slice %arg13[%dma_start3A_58, %dma_start3A_59] : memref<10112x64xf32, #tpu.memory_space<vmem_shared>> -> memref<10112x64xf32, #tpu.memory_space<vmem_shared>>
        tpu.enqueue_indirect_dma source(%arg12 : memref<128x64xf32, #tpu.memory_space<vmem>>) target(%dma_start3A_60 : memref<10112x64xf32, #tpu.memory_space<vmem_shared>>) offsets(%dma_start3A_57 : memref<128xi32, #tpu.memory_space<vmem>>) semaphore(%run_scoped3A : memref<!tpu.dma_semaphore, #tpu.memory_space<semaphore_mem>>) {add = true}
        %dma_wait3A_61 = arith.constant 0 : i32
        %dma_wait3A_62 = tpu.memref_slice %arg9[%scan3A_30, %dma_wait3A_61] : memref<79x128xi32, #tpu.memory_space<vmem>> -> memref<1x128xi32, #tpu.memory_space<vmem>>
        %dma_wait3A_63 = tpu.memref_squeeze %dma_wait3A_62 : memref<1x128xi32, #tpu.memory_space<vmem>> -> memref<128xi32, #tpu.memory_space<vmem>>
        %dma_wait3A_64 = arith.constant 0 : i32
        %dma_wait3A_65 = arith.constant 0 : i32
        %dma_wait3A_66 = tpu.memref_slice %arg13[%dma_wait3A_64, %dma_wait3A_65] : memref<10112x64xf32, #tpu.memory_space<vmem_shared>> -> memref<10112x64xf32, #tpu.memory_space<vmem_shared>>
        tpu.wait_indirect_dma semaphore(%run_scoped3A : memref<!tpu.dma_semaphore, #tpu.memory_space<semaphore_mem>>) src(%arg12 : memref<128x64xf32, #tpu.memory_space<vmem>>) dst(%dma_wait3A_66 : memref<10112x64xf32, #tpu.memory_space<vmem_shared>>)
        tpu.yield
      }) : () -> ()
      %scan3A_54 = arith.constant 0 : i32
      scf.yield %scan3A_54 : i32
    }
    %scan3A_28 = arith.constant 79 : i32
    %barrier3A_29 = arith.constant 0 : index
    tpu.barrier barrier_id(%barrier3A_29)
    "tpu.region"() ({
      %run_scoped3A = tpu.sem_alloc : memref<!tpu.dma_semaphore, #tpu.memory_space<semaphore_mem>>
      %dma_start3A = arith.constant 0 : i32
      %dma_start3A_30 = tpu.memref_slice %arg7[%arg0, %mul3A_12, %dma_start3A] : memref<2x10112x64xf32, #tpu.memory_space<hbm>> -> memref<1x632x64xf32, #tpu.memory_space<hbm>>
      %dma_start3A_31 = tpu.memref_squeeze %dma_start3A_30 : memref<1x632x64xf32, #tpu.memory_space<hbm>> -> memref<632x64xf32, #tpu.memory_space<hbm>>
      %dma_start3A_32 = arith.constant 0 : i32
      %dma_start3A_33 = tpu.memref_slice %arg13[%mul3A_12, %dma_start3A_32] : memref<10112x64xf32, #tpu.memory_space<vmem_shared>> -> memref<632x64xf32, #tpu.memory_space<vmem_shared>>
      tpu.enqueue_dma source(%dma_start3A_33 : memref<632x64xf32, #tpu.memory_space<vmem_shared>>) target(%dma_start3A_31 : memref<632x64xf32, #tpu.memory_space<hbm>>) target_semaphore(%run_scoped3A : memref<!tpu.dma_semaphore, #tpu.memory_space<semaphore_mem>>)
      %dma_wait3A = arith.constant 0 : i32
      %dma_wait3A_34 = tpu.memref_slice %arg7[%arg0, %mul3A_12, %dma_wait3A] : memref<2x10112x64xf32, #tpu.memory_space<hbm>> -> memref<1x632x64xf32, #tpu.memory_space<hbm>>
      %dma_wait3A_35 = tpu.memref_squeeze %dma_wait3A_34 : memref<1x632x64xf32, #tpu.memory_space<hbm>> -> memref<632x64xf32, #tpu.memory_space<hbm>>
      %dma_wait3A_36 = arith.constant 0 : i32
      %dma_wait3A_37 = tpu.memref_slice %arg13[%mul3A_12, %dma_wait3A_36] : memref<10112x64xf32, #tpu.memory_space<vmem_shared>> -> memref<632x64xf32, #tpu.memory_space<vmem_shared>>
      tpu.wait_dma2 semaphore(%run_scoped3A : memref<!tpu.dma_semaphore, #tpu.memory_space<semaphore_mem>>) src(%dma_wait3A_37 : memref<632x64xf32, #tpu.memory_space<vmem_shared>>) dst(%dma_wait3A_35 : memref<632x64xf32, #tpu.memory_space<hbm>>)
      tpu.yield
    }) : () -> ()
    return
  }
}

module attributes {stable_mosaic.version = 14 : i64} {
  func.func @body(%arg0: i32, %arg1: memref<1000x128xf32, #tpu.memory_space<vmem>>, %arg2: memref<1x1000x64xf32, #tpu.memory_space<vmem>>, %arg3: memref<1x1000x64xf32, #tpu.memory_space<vmem>>, %arg4: memref<1x1000x64xf32, #tpu.memory_space<vmem>>, %arg5: memref<1x1000x64xf32, #tpu.memory_space<vmem>>, %arg6: memref<1x1000x16xf32, #tpu.memory_space<vmem>>, %arg7: memref<1x1000x16xf32, #tpu.memory_space<vmem>>, %arg8: memref<128x128xf32, #tpu.memory_space<vmem>>, %arg9: memref<128x128xf32, #tpu.memory_space<vmem>>, %arg10: memref<128x128xf32, #tpu.memory_space<vmem>>, %arg11: memref<1000x128xf32, #tpu.memory_space<vmem>>) attributes {dimension_semantics = [#tpu.dimension_semantics<arbitrary>], iteration_bounds = array<i64: 10>, scalar_prefetch = 0 : i64, scratch_operands = 0 : i64, tpu.core_type = #tpu.core_type<tc>, window_params = [{transform_indices = @transform_0, window_bounds = array<i64: 1000, 128>}, {transform_indices = @transform_1, window_bounds = array<i64: 1, 1000, 64>}, {transform_indices = @transform_2, window_bounds = array<i64: 1, 1000, 64>}, {transform_indices = @transform_3, window_bounds = array<i64: 1, 1000, 64>}, {transform_indices = @transform_4, window_bounds = array<i64: 1, 1000, 64>}, {transform_indices = @transform_5, window_bounds = array<i64: 1, 1000, 16>}, {transform_indices = @transform_6, window_bounds = array<i64: 1, 1000, 16>}, {pipeline_mode = #tpu.pipeline_mode<synchronous>, transform_indices = @transform_7, window_bounds = array<i64: 128, 128>}, {pipeline_mode = #tpu.pipeline_mode<synchronous>, transform_indices = @transform_8, window_bounds = array<i64: 128, 128>}, {pipeline_mode = #tpu.pipeline_mode<synchronous>, transform_indices = @transform_9, window_bounds = array<i64: 128, 128>}, {transform_indices = @transform_10, window_bounds = array<i64: 1000, 128>}]} {
    %get3A = arith.constant 0 : index
    %get3A_0 = arith.constant 0 : index
    %get3A_1 = arith.constant 0 : index
    %get3A_2 = vector.load %arg6[%get3A, %get3A_0, %get3A_1] : memref<1x1000x16xf32, #tpu.memory_space<vmem>>, vector<1x1000x16xf32>
    %get3A_3 = vector.shape_cast %get3A_2 : vector<1x1000x16xf32> to vector<1000x16xf32>
    %get3A_4 = arith.constant 0 : index
    %get3A_5 = arith.constant 0 : index
    %get3A_6 = arith.constant 0 : index
    %get3A_7 = vector.load %arg7[%get3A_4, %get3A_5, %get3A_6] : memref<1x1000x16xf32, #tpu.memory_space<vmem>>, vector<1x1000x16xf32>
    %get3A_8 = vector.shape_cast %get3A_7 : vector<1x1000x16xf32> to vector<1000x16xf32>
    %add3A = arith.addf %get3A_3, %get3A_8 : vector<1000x16xf32>
    %reduce_sum3A = arith.constant dense<0.000000e+00> : vector<1000xf32>
    %reduce_sum3A_9 = vector.multi_reduction <add>, %add3A, %reduce_sum3A [1] : vector<1000x16xf32> to vector<1000xf32>
    %broadcast_in_dim3A = vector.shape_cast %reduce_sum3A_9 : vector<1000xf32> to vector<1000x1xf32>
    %gt3A = arith.constant 0.000000e+00 : f32
    %gt3A_10 = vector.broadcast %gt3A : f32 to vector<1000x1xf32>
    %gt3A_11 = arith.cmpf ogt, %broadcast_in_dim3A, %gt3A_10 : vector<1000x1xf32>
    %max3A = arith.constant 1.000000e+00 : f32
    %max3A_12 = vector.broadcast %max3A : f32 to vector<1000x1xf32>
    %max3A_13 = arith.maximumf %broadcast_in_dim3A, %max3A_12 : vector<1000x1xf32>
    %div3A = arith.constant 1.000000e+00 : f32
    %div3A_14 = vector.broadcast %div3A : f32 to vector<1000x1xf32>
    %div3A_15 = arith.divf %div3A_14, %max3A_13 : vector<1000x1xf32>
    %jit3A = arith.constant 0.000000e+00 : f32
    %broadcast_in_dim3A_16 = vector.broadcast %jit3A : f32 to vector<1000x1xf32>
    %select_n3A = arith.select %gt3A_11, %div3A_15, %broadcast_in_dim3A_16 : vector<1000x1xi1>, vector<1000x1xf32>
    %get3A_17 = arith.constant 0 : index
    %get3A_18 = arith.constant 0 : index
    %get3A_19 = arith.constant 0 : index
    %get3A_20 = vector.load %arg2[%get3A_17, %get3A_18, %get3A_19] : memref<1x1000x64xf32, #tpu.memory_space<vmem>>, vector<1x1000x64xf32>
    %get3A_21 = vector.shape_cast %get3A_20 : vector<1x1000x64xf32> to vector<1000x64xf32>
    %get3A_22 = arith.constant 0 : index
    %get3A_23 = arith.constant 0 : index
    %get3A_24 = arith.constant 0 : index
    %get3A_25 = vector.load %arg3[%get3A_22, %get3A_23, %get3A_24] : memref<1x1000x64xf32, #tpu.memory_space<vmem>>, vector<1x1000x64xf32>
    %get3A_26 = vector.shape_cast %get3A_25 : vector<1x1000x64xf32> to vector<1000x64xf32>
    %add3A_27 = arith.addf %get3A_21, %get3A_26 : vector<1000x64xf32>
    %get3A_28 = arith.constant 0 : index
    %get3A_29 = arith.constant 0 : index
    %get3A_30 = arith.constant 0 : index
    %get3A_31 = vector.load %arg4[%get3A_28, %get3A_29, %get3A_30] : memref<1x1000x64xf32, #tpu.memory_space<vmem>>, vector<1x1000x64xf32>
    %get3A_32 = vector.shape_cast %get3A_31 : vector<1x1000x64xf32> to vector<1000x64xf32>
    %get3A_33 = arith.constant 0 : index
    %get3A_34 = arith.constant 0 : index
    %get3A_35 = arith.constant 0 : index
    %get3A_36 = vector.load %arg5[%get3A_33, %get3A_34, %get3A_35] : memref<1x1000x64xf32, #tpu.memory_space<vmem>>, vector<1x1000x64xf32>
    %get3A_37 = vector.shape_cast %get3A_36 : vector<1x1000x64xf32> to vector<1000x64xf32>
    %add3A_38 = arith.addf %get3A_32, %get3A_37 : vector<1000x64xf32>
    %get3A_39 = arith.constant 0 : index
    %get3A_40 = arith.constant 0 : index
    %get3A_41 = vector.load %arg8[%get3A_39, %get3A_40] : memref<128x128xf32, #tpu.memory_space<vmem>>, vector<128x128xf32>
    %slice3A = vector.extract_strided_slice %get3A_41 {offsets = [0, 0], sizes = [64, 128], strides = [1, 1]} : vector<128x128xf32> to vector<64x128xf32>
    %dot_general3A = arith.constant dense<0.000000e+00> : vector<1000x128xf32>
    %dot_general3A_42 = tpu.matmul %add3A_27, %slice3A, %dot_general3A {dimension_numbers = #tpu.dot_dimension_numbers<[1], [0], [0], [1], [0, 0, 1, 1], [], []>, transpose_lhs_hint = false} : vector<1000x64xf32>, vector<64x128xf32>, vector<1000x128xf32> -> vector<1000x128xf32>
    %slice3A_43 = vector.extract_strided_slice %get3A_41 {offsets = [64, 0], sizes = [64, 128], strides = [1, 1]} : vector<128x128xf32> to vector<64x128xf32>
    %dot_general3A_44 = arith.constant dense<0.000000e+00> : vector<1000x128xf32>
    %dot_general3A_45 = tpu.matmul %add3A_38, %slice3A_43, %dot_general3A_44 {dimension_numbers = #tpu.dot_dimension_numbers<[1], [0], [0], [1], [0, 0, 1, 1], [], []>, transpose_lhs_hint = false} : vector<1000x64xf32>, vector<64x128xf32>, vector<1000x128xf32> -> vector<1000x128xf32>
    %add3A_46 = arith.addf %dot_general3A_42, %dot_general3A_45 : vector<1000x128xf32>
    %get3A_47 = arith.constant 0 : index
    %get3A_48 = arith.constant 0 : index
    %get3A_49 = vector.load %arg1[%get3A_47, %get3A_48] : memref<1000x128xf32, #tpu.memory_space<vmem>>, vector<1000x128xf32>
    %get3A_50 = arith.constant 0 : index
    %get3A_51 = arith.constant 0 : index
    %get3A_52 = vector.load %arg9[%get3A_50, %get3A_51] : memref<128x128xf32, #tpu.memory_space<vmem>>, vector<128x128xf32>
    %dot_general3A_53 = arith.constant dense<0.000000e+00> : vector<1000x128xf32>
    %dot_general3A_54 = tpu.matmul %get3A_49, %get3A_52, %dot_general3A_53 {dimension_numbers = #tpu.dot_dimension_numbers<[1], [0], [0], [1], [0, 0, 1, 1], [], []>, transpose_lhs_hint = false} : vector<1000x128xf32>, vector<128x128xf32>, vector<1000x128xf32> -> vector<1000x128xf32>
    %get3A_55 = arith.constant 0 : index
    %get3A_56 = arith.constant 0 : index
    %get3A_57 = vector.load %arg10[%get3A_55, %get3A_56] : memref<128x128xf32, #tpu.memory_space<vmem>>, vector<128x128xf32>
    %dot_general3A_58 = arith.constant dense<0.000000e+00> : vector<1000x128xf32>
    %dot_general3A_59 = tpu.matmul %get3A_49, %get3A_57, %dot_general3A_58 {dimension_numbers = #tpu.dot_dimension_numbers<[1], [0], [0], [1], [0, 0, 1, 1], [], []>, transpose_lhs_hint = false} : vector<1000x128xf32>, vector<128x128xf32>, vector<1000x128xf32> -> vector<1000x128xf32>
    %broadcast_in_dim3A_60 = vector.shape_cast %gt3A_11 : vector<1000x1xi1> to vector<1000x1xi1>
    %broadcast_in_dim3A_61 = vector.broadcast %broadcast_in_dim3A_60 : vector<1000x1xi1> to vector<1000x128xi1>
    %select_n3A_62 = arith.select %broadcast_in_dim3A_61, %dot_general3A_54, %dot_general3A_59 : vector<1000x128xi1>, vector<1000x128xf32>
    %mul3A = vector.broadcast %select_n3A : vector<1000x1xf32> to vector<1000x128xf32>
    %mul3A_63 = arith.mulf %add3A_46, %mul3A : vector<1000x128xf32>
    %add3A_64 = arith.addf %mul3A_63, %select_n3A_62 : vector<1000x128xf32>
    %max3A_65 = arith.constant 0.000000e+00 : f32
    %max3A_66 = vector.broadcast %max3A_65 : f32 to vector<1000x128xf32>
    %max3A_67 = arith.maximumf %add3A_64, %max3A_66 : vector<1000x128xf32>
    %swap3A = arith.constant 0 : index
    %swap3A_68 = arith.constant 0 : index
    %swap3A_69 = vector.load %arg11[%swap3A, %swap3A_68] : memref<1000x128xf32, #tpu.memory_space<vmem>>, vector<1000x128xf32>
    tpu.vector_store %arg11[%swap3A, %swap3A_68], %max3A_67 {strides = array<i32>} : memref<1000x128xf32, #tpu.memory_space<vmem>>, vector<1000x128xf32>,
    return
  }
  func.func @transform_0(%arg0: i32) -> (i32, i32) {
    %c0_i32 = arith.constant 0 : i32
    %c0_i32_0 = arith.constant 0 : i32
    return %arg0, %c0_i32 : i32, i32
  }
  func.func @transform_1(%arg0: i32) -> (i32, i32, i32) {
    %c0_i32 = arith.constant 0 : i32
    %c0_i32_0 = arith.constant 0 : i32
    %c0_i32_1 = arith.constant 0 : i32
    return %c0_i32, %arg0, %c0_i32_0 : i32, i32, i32
  }
  func.func @transform_2(%arg0: i32) -> (i32, i32, i32) {
    %c1_i32 = arith.constant 1 : i32
    %c0_i32 = arith.constant 0 : i32
    %c0_i32_0 = arith.constant 0 : i32
    return %c1_i32, %arg0, %c0_i32 : i32, i32, i32
  }
  func.func @transform_3(%arg0: i32) -> (i32, i32, i32) {
    %c0_i32 = arith.constant 0 : i32
    %c0_i32_0 = arith.constant 0 : i32
    %c0_i32_1 = arith.constant 0 : i32
    return %c0_i32, %arg0, %c0_i32_0 : i32, i32, i32
  }
  func.func @transform_4(%arg0: i32) -> (i32, i32, i32) {
    %c1_i32 = arith.constant 1 : i32
    %c0_i32 = arith.constant 0 : i32
    %c0_i32_0 = arith.constant 0 : i32
    return %c1_i32, %arg0, %c0_i32 : i32, i32, i32
  }
  func.func @transform_5(%arg0: i32) -> (i32, i32, i32) {
    %c0_i32 = arith.constant 0 : i32
    %c0_i32_0 = arith.constant 0 : i32
    %c0_i32_1 = arith.constant 0 : i32
    return %c0_i32, %arg0, %c0_i32_0 : i32, i32, i32
  }
  func.func @transform_6(%arg0: i32) -> (i32, i32, i32) {
    %c1_i32 = arith.constant 1 : i32
    %c0_i32 = arith.constant 0 : i32
    %c0_i32_0 = arith.constant 0 : i32
    return %c1_i32, %arg0, %c0_i32 : i32, i32, i32
  }
  func.func @transform_7(%arg0: i32) -> (i32, i32) {
    %c0_i32 = arith.constant 0 : i32
    %c0_i32_0 = arith.constant 0 : i32
    %c0_i32_1 = arith.constant 0 : i32
    return %c0_i32, %c0_i32_0 : i32, i32
  }
  func.func @transform_8(%arg0: i32) -> (i32, i32) {
    %c0_i32 = arith.constant 0 : i32
    %c0_i32_0 = arith.constant 0 : i32
    %c0_i32_1 = arith.constant 0 : i32
    return %c0_i32, %c0_i32_0 : i32, i32
  }
  func.func @transform_9(%arg0: i32) -> (i32, i32) {
    %c0_i32 = arith.constant 0 : i32
    %c0_i32_0 = arith.constant 0 : i32
    %c0_i32_1 = arith.constant 0 : i32
    return %c0_i32, %c0_i32_0 : i32, i32
  }
  func.func @transform_10(%arg0: i32) -> (i32, i32) {
    %c0_i32 = arith.constant 0 : i32
    %c0_i32_0 = arith.constant 0 : i32
    return %arg0, %c0_i32 : i32, i32
  }
}

</mosaic_0001>

<sc_bundles>
// kernel: kernel.5.cloned.1.call-start
scs
__scs_entry_jumppad:
0x0: {  	(pc) =	sbr.rel $0x88, $3  }
0x1: {  	(tag) =	ssettag $0x0;
	lr =	simm.s32 $0x1  }
0x2: {  	[smem:$0x3F9A] =	sst lr;
	_ =	strace $0xD0000000  }
0x3: {  	_ = 	snop  }
0x4: {  	_ = 	snop  }
0x5: {  	_ = 	snop  }
0x6: {  	_ = 	snop  }
0x7: {  	_ = 	snop  }
__scs_overlays_trampoline_lowered:
0x8: {  	[smem:$0x3FA9] =	sst s0  }
0x9: {  	[smem:$0x3FAA] =	sst s1  }
0xa: {  	[smem:$0x3FAB] =	sst s2  }
0xb: {  	[smem:$0x3FAC] =	sst s3  }
0xc: {  	[smem:$0x3FAD] =	sst s4  }
0xd: {  	[smem:$0x3FAE] =	sst s5  }
0xe: {  	[smem:$0x3FAF] =	sst s6  }
0xf: {  	[smem:$0x3FB0] =	sst s7  }
0x10: {  	[smem:$0x3FB1] =	sst s8  }
0x11: {  	[smem:$0x3FB2] =	sst s9;
	s0 =	simm.s32 @!p0 $0x0  }
0x12: {  	s1 =	sld [smem:$0x3F98];
	s0 =	simm.s32 @p0 $0x1  }
0x13: {  	[smem:$0x3FB3] =	sst s0;
	s0 =	simm.s32 @!p1 $0x0  }
0x14: {  	s2 =	sld [smem:$0x3F97];
	s0 =	simm.s32 @p1 $0x1  }
0x15: {  	[smem:$0x3FB4] =	sst s0;
	s0 =	simm.s32 @!p2 $0x0  }
0x16: {  	s3 =	sld [smem:$0x3FDB];
	s0 =	simm.s32 @p2 $0x1  }
0x17: {  	s4 =	simm.s32 $0x1BF5;
	[smem:$0x3FB6] =	sst s0  }
0x18: {  	s0 =	sld [smem:$0x3F99];
	_ =	swait.ge [sflag:s4], $0x0  }
0x19: {  	s7 =	sld [smem:$0x3F9A]  }
0x1a: {  	s8 =	sadd.s32 $0xFFFFE003, lr  }
0x1b: {  	s9 =	sadd.s32 $0xFFFFFEF7, lr;
	s5 =	simm.s32 $0xFFFFFFFF;
	p2 =	slt.u32 s8, $0xFFFFF086  }
0x1c: {  	p1 =	slt.u32 s9, $0xF7A;
	s5 =	simm.s32 @!p2 $0x0  }
0x1d: {  	s5 =	simm.s32 @p1 $0x1;
	p0 =	seq.s32 s7, s2  }
0x1e: {  	s7 =	smul.u32 @!p0 $0xF7A, s2;
	p2 =	seq.s32 @!p0 s5, $0x0  }
0x1f: {  	s9 =	smul.u32 $0xF7A, s1;
	s8 =	simm.s32 @!p0 $0x1BF5;
	p2 =	por !p2, p0  }
0x20: {  	[sflag:s8] =	ssyncset.s32 @!p0 $0xFFFFF086;
	s6 =	sadd.s32 @!p0 s3, s7;
	s7 =	simm.s32 @!p0 $0x108  }
0x21: {  	s3 =	sadd.s32 s3, s9;
	s6 =	sadd.s32 @!p0 $0x88, s6;
	s7 =	simm.s32 @p2 $0x1082  }
0x22: {  	[simem:s7], [sflag:s8] =	dma.local @!p0 [hbm:s6], $0xF7A  }
0x23: {  	s9 =	sor.u32 $0xD0000000, s2;
	s6 =	simm.s32 $0x108;
	_ =	swait.ge @!p0 [sflag:s8], $0x0  }
0x24: {  	s3 =	sadd.s32 $0x88, s3;
	s6 =	simm.s32 @!p1 $0x1082;
	[sflag:s4] =	ssyncset.s32 $0xFFFFF086  }
0x25: {  	[simem:s6], [sflag:s4] =	dma.local [hbm:s3], $0xF7A  }
0x26: {  	[smem:$0x3F9A] =	sst s1;
	(tag) =	ssettag s2;
	_ =	strace s9  }
0x27: {  	s1 =	sld [smem:$0x3FAA]  }
0x28: {  	s2 =	sld [smem:$0x3FAB]  }
0x29: {  	s4 =	sld [smem:$0x3FAD]  }
0x2a: {  	p0 =	seq.s32 s5, $0x0;
	s5 =	sld [smem:$0x3FAE]  }
0x2b: {  	s6 =	sld [smem:$0x3FAF]  }
0x2c: {  	s7 =	sld [smem:$0x3FB0]  }
0x2d: {  	s3 =	simm.s32 $0x108;
	s8 =	sld [smem:$0x3FB1]  }
0x2e: {  	s3 =	simm.s32 @!p0 $0x1082;
	s9 =	sld [smem:$0x3FB2]  }
0x2f: {  	lr =	sadd.s32 s0, s3;
	s0 =	sld [smem:$0x3FA9]  }
0x30: {  	s3 =	sld [smem:$0x3FAC]  }
0x31: {  	[smem:$0x3FB5] =	sst s10  }
0x32: {  	s10 =	sld [smem:$0x3FB3];
	_ =	sdelay $0x3  }
0x33: {  	p0 =	seq.s32 s10, $0x1;
	s10 =	sld [smem:$0x3FB5];
	_ =	sdelay $0x3  }
0x34: {  	[smem:$0x3FB5] =	sst s10  }
0x35: {  	s10 =	sld [smem:$0x3FB4];
	_ =	sdelay $0x3  }
0x36: {  	p1 =	seq.s32 s10, $0x1;
	s10 =	sld [smem:$0x3FB5];
	_ =	sdelay $0x3  }
0x37: {  	[smem:$0x3FB5] =	sst s10  }
0x38: {  	s10 =	sld [smem:$0x3FB6]  }
0x39: {  	_ = 	snop;
	(pc) =	sbr.ind lr, $3  }
0x3a: {  	_ = 	snop  }
0x3b: {  	_ = 	snop  }
0x3c: {  	p2 =	seq.s32 s10, $0x1;
	s10 =	sld [smem:$0x3FB5]  }
0x3d: {  	_ =	shalt  }
0x3e: {  	_ =	shalt  }
0x3f: {  	_ =	shalt  }
0x40: {  	_ =	shalt  }
0x41: {  	_ =	shalt  }
0x42: {  	_ =	shalt  }
0x43: {  	_ =	shalt  }
0x44: {  	_ =	shalt  }
0x45: {  	_ =	shalt  }
0x46: {  	_ =	shalt  }
0x47: {  	_ =	shalt  }
0x48: {  	_ =	shalt  }
0x49: {  	_ =	shalt  }
0x4a: {  	_ =	shalt  }
0x4b: {  	_ =	shalt  }
0x4c: {  	_ =	shalt  }
0x4d: {  	_ =	shalt  }
0x4e: {  	_ =	shalt  }
0x4f: {  	_ =	shalt  }
0x50: {  	_ =	shalt  }
0x51: {  	_ =	shalt  }
0x52: {  	_ =	shalt  }
0x53: {  	_ =	shalt  }
0x54: {  	_ =	shalt  }
0x55: {  	_ =	shalt  }
0x56: {  	_ =	shalt  }
0x57: {  	_ =	shalt  }
0x58: {  	_ =	shalt  }
0x59: {  	_ =	shalt  }
0x5a: {  	_ =	shalt  }
0x5b: {  	_ =	shalt  }
0x5c: {  	_ =	shalt  }
0x5d: {  	_ =	shalt  }
0x5e: {  	_ =	shalt  }
0x5f: {  	_ =	shalt  }
0x60: {  	_ =	shalt  }
0x61: {  	_ =	shalt  }
0x62: {  	_ =	shalt  }
0x63: {  	_ =	shalt  }
0x64: {  	_ =	shalt  }
0x65: {  	_ =	shalt  }
0x66: {  	_ =	shalt  }
0x67: {  	_ =	shalt  }
0x68: {  	_ =	shalt  }
0x69: {  	_ =	shalt  }
0x6a: {  	_ =	shalt  }
0x6b: {  	_ =	shalt  }
0x6c: {  	_ =	shalt  }
0x6d: {  	_ =	shalt  }
0x6e: {  	_ =	shalt  }
0x6f: {  	_ =	shalt  }
0x70: {  	_ =	shalt  }
0x71: {  	_ =	shalt  }
0x72: {  	_ =	shalt  }
0x73: {  	_ =	shalt  }
0x74: {  	_ =	shalt  }
0x75: {  	_ =	shalt  }
0x76: {  	_ =	shalt  }
0x77: {  	_ =	shalt  }
0x78: {  	_ =	shalt  }
0x79: {  	_ =	shalt  }
0x7a: {  	_ =	shalt  }
0x7b: {  	_ =	shalt  }
0x7c: {  	_ =	shalt  }
0x7d: {  	_ =	shalt  }
0x7e: {  	_ =	shalt  }
0x7f: {  	_ =	shalt  }
0x80: {  	_ =	shalt  }
0x81: {  	_ =	shalt  }
0x82: {  	_ =	shalt  }
0x83: {  	_ =	shalt  }
0x84: {  	_ =	shalt  }
0x85: {  	_ =	shalt  }
0x86: {  	_ =	shalt  }
0x87: {  	_ =	shalt  }
.Lfunc_end0:
.L_simem_size_0:
called_computation_lowered:
.L_overlay_start_0:
0x88: {  	s2 =	sld [smem:$0x3FD9]  }
0x89: {  	s3 =	sld [smem:$0x3FFE];
	_ =	sdelay $0x1  }
0x8a: {  	s1 =	srdreg.scid  }
0x8b: {  	s0 =	sand.u32 $0x1, s1  }
0x8c: {  	s17 =	sshll.u32 s0, $0xA;
	s2 =	sadd.s32 s3, s2  }
0x8d: {  	s2 =	sadd.s32 s2, s17  }
0x8e: {  	[smem:$0x3FC1] =	sst s2  }
0x8f: {  	_ = 	snop  }
0x90: {  	s18 =	sld [smem:$0x3FD0];
	(tm) =	ssettm $0x1  }
0x91: {  	s19 =	sld [smem:$0x3FFB];
	_ =	sdelay $0x3  }
0x92: {  	_ =	strace s19  }
0x93: {  	s2 =	sld [smem:$0x3FFC];
	_ =	sdelay $0x3  }
0x94: {  	_ =	strace s2  }
0x95: {  	s2 =	sld [smem:$0x3FFD];
	_ =	sdelay $0x3  }
0x96: {  	_ =	strace s2  }
0x97: {  	_ =	strace $0x8FFFFFFF  }
0x98: {  	s20 =	sld [smem:$0x3FDB];
	_ =	sdelay $0x1  }
0x99: {  	s4 =	simm.s32 $_scs_section_size  }
0x9a: {  	s5 =	simm.s32 $_size__tile_overlayer_lowered;
	s6 =	simm.s32 $_tile_overlayer_lowered  }
0x9b: {  	s7 =	simm.s32 $0x1BFF;
	s21 =	sshll.u32 s6, $0x1;
	s4 =	sadd.s32 s4, s20  }
0x9c: {  	s22 =	simm.s32 $0x0;
	s5 =	sshll.u32 s5, $0x1;
	s6 =	sadd.s32 s21, s4  }
0x9d: {  	[timem:s22], [sflag:s7] =	dma.local [hbm:s6], s5  }
0x9e: {  	_ =	swait.ge [sflag:s7], s5  }
0x9f: {  	s5 =	ssub.s32 $0x0, s5;
	[sflag:s7] =	ssyncset.done $0x0  }
0xa0: {  	[sflag:s7] =	ssyncadd.s32 s5;
	_ =	sdelay $0x1  }
0xa1: {  	s23 =	simm.s32 $0x1B8B  }
0xa2: {  	_ =	swait.ge [sflag:s23], $0x1  }
0xa3: {  	[sflag:s23] =	ssyncset.done $0x0  }
0xa4: {  	[sflag:s23] =	ssyncadd.s32 $0xFFFFFFFF  }
0xa5: {  	s5 =	sld [smem:$0x0]  }
0xa6: {  	s6 =	sand.u32 $0xFFFFFFFE, s1  }
0xa7: {  	p0 =	sne.s32 s1, s6  }
0xa8: {  	s6 =	sshll.u32 @p0 s6, $0xE  }
0xa9: {  	s6 =	sadd.s32 @p0 $0x11B8D, s6;
	s7 =	sshll.u32 @p0 s5, $0x11  }
0xaa: {  	s6 =	sor.u32 @p0 s7, s6  }
0xab: {  	[sflag:s6] =	ssyncadd.remote.s32 @p0 $0x1;
	_ =	sdelay $0x1  }
0xac: {  	s6 =	simm.s32 @p0 $0x1B8D  }
0xad: {  	_ =	swait.eq @p0 [sflag:s6], $0x1  }
0xae: {  	[sflag:s6] =	ssyncadd.s32 @p0 $0xFFFFFFFF  }
0xaf: {  	s7 =	sshll.u32 @!p0 s1, $0xE  }
0xb0: {  	s7 =	sor.u32 @!p0 $0x4000, s7;
	s6 =	simm.s32 @!p0 $0x1B8D  }
0xb1: {  	s5 =	sshll.u32 @!p0 s5, $0x11;
	s7 =	sadd.s32 @!p0 $0x11B8D, s7;
	_ =	swait.eq @!p0 [sflag:s6], $0x1  }
0xb2: {  	s5 =	sor.u32 @!p0 s5, s7;
	[sflag:s6] =	ssyncadd.s32 @!p0 $0xFFFFFFFF  }
0xb3: {  	s25 =	simm.s32 $0x1B8E;
	s24 =	sld [smem:$0x3FFE];
	[sflag:s5] =	ssyncadd.remote.s32 @!p0 $0x1  }
0xb4: {  	s26 =	simm.s32 $execute0_lowered;
	[smem:$0x3FD2] =	sst s25  }
0xb5: {  	s6 =	sshll.u32 s26, $0x1;
	_ =	strace $0x80000049;
	[dreg:$0x1] =	wrdreg $0xFFFFFFFF  }
0xb6: {  	s28 =	simm.s32 $_size_execute0_lowered;
	s4 =	sadd.s32 s4, s6;
	[dreg:$0x0] =	wrdreg $0x0  }
0xb7: {  	s6 =	sshll.u32 s28, $0x1;
	[dreg:$0x2] =	wrdreg s4  }
0xb8: {  	[dreg:$0x3] =	wrdreg s6  }
0xb9: {  	[dreg:$0x4] =	wrdreg $0xC0  }
0xba: {  	_ =	task [dreg:s22], $0x5FFFF  }
0xbb: {  	[dreg:$0x1] =	wrdreg $0xFFFFFFFF  }
0xbc: {  	[dreg:$0x0] =	wrdreg $0x60  }
0xbd: {  	[dreg:$0x2] =	wrdreg s18  }
0xbe: {  	[dreg:$0x3] =	wrdreg s24  }
0xbf: {  	[dreg:$0x4] =	wrdreg $0xB6800  }
0xc0: {  	[dreg:$0x5] =	wrdreg $0x164800  }
0xc1: {  	[dreg:$0x6] =	wrdreg $0x9  }
0xc2: {  	_ =	task.clear_ibuf [dreg:s22], $0x7FFFF;
	_ =	strace $0x90000049  }
0xc3: {  	s29 =	simm.s32 $0x9;
	_ =	strace $0x8000004B  }
0xc4: {  	_ =	swait.ge [sflag:s29], $0x1  }
0xc5: {  	[sflag:s29] =	ssyncadd.s32 $0xFFFFFFFF  }
0xc6: {  	_ =	strace $0x9000004B  }
0xc7: {  	_ =	sfence  }
0xc8: {  	s30 =	sld [smem:$0x0];
	_ =	sdelay $0x2  }
0xc9: {  	s31 =	sshll.u32 s1, $0xD;
	s1 =	sshrl.u32 s1, $0x2  }
0xca: {  	s4 =	sand.u32 $0x4000, s31;
	s1 =	sadd.s32 s1, s30  }
0xcb: {  	s0 =	sor.u32 s4, s0;
	s1 =	sshll.u32 s1, $0x11  }
0xcc: {  	s0 =	sor.u32 s1, s0  }
0xcd: {  	s0 =	sadd.s32 $0x8F2B, s0  }
0xce: {  	[sflag:s0] =	ssyncadd.remote.s32 $0x1  }
0xcf: {  	_ =	sfence.sel $0xFFFF  }
0xd0: {  	[dreg:$0x0] =	wrdreg $0xFFFFFFFF;
	(pc) =	sbr.abs _section_cstart, $3  }
0xd1: {  	[dreg:$0x1] =	wrdreg $0xFFFFFFFF  }
0xd2: {  	_ =	task.clear_ibuf [dreg:s22], $0x2FFFF;
	_ =	strace $0x9FFFFFFF  }
0xd3: {  	(tm) =	ssettm $0x7FFFFFFF  }
tec
execute0_lowered:
.L_overlay_start_1:
0x0: {  	(tag) =	ssettag $0x1  }
0x1: {  	s1 =	rddreg [dreg:$0x0]  }
0x2: {  	s0 =	rddreg [dreg:$0x1]  }
0x3: {  	s2 =	srdreg.scid;
	s11 =	stileid.u32  }
0x4: {  	s3 =	rddreg [dreg:$0x2];
	s7 =	smul.u32 $0x9E00, s11  }
0x5: {  	s4 =	rddreg [dreg:$0x3];
	s5 =	simm.s32 $0x0;
	s8 =	smul.u32 $0x2780, s11  }
0x6: {  	s29 =	simm.s32 $0x80;
	s2 =	sand.u32 $0x1, s2;
	s14 =	smul.u32 $0x278, s11  }
0x7: {  	s30 =	simm.s32 $0x9680;
	s31 =	simm.s32 $0x1;
	s6 =	smul.u32 $0x9E000, s2  }
0x8: {  	[smem:$0x7FF] =	sst s5;
	s9 =	smul.u32 $0x27800, s2;
	s2 =	ssub.s32 $0x2, s2  }
0x9: {  	_ =	strace $0x8000004A;
	s18 =	sshrl.u32 s2, $0x1;
	s19 =	sadd.s32 $0x80, s14  }
0xa: {  	s22 =	sadd.s32 $0x100, s14;
	s15 =	sadd.s32 $0x180, s14;
	s26 =	sadd.s32 $0x200, s14  }
0xb: {  	s10 =	sadd.s32 s7, s6;
	s6 =	sadd.s32 $0x5AE00, s0;
	s9 =	sadd.s32 s8, s9  }
0xc: {  	s2 =	ssub.s32 s2, s18;
	s7 =	sadd.s32 s7, s3;
	s8 =	sadd.s32 s8, s4  }
0xd: {  	s21 =	sshll.u32 s19, $0x6;
	s23 =	sshll.u32 s22, $0x6;
	s24 =	sshll.u32 s15, $0x6  }
0xe: {  	s25 =	sshll.u32 s15, $0x4;
	s28 =	sshll.u32 s26, $0x6;
	s16 =	sshll.u32 s26, $0x4  }
0xf: {  	s10 =	sshrl.u32 s10, $0x3;
	s9 =	sshrl.u32 s9, $0x3;
	s11 =	sadd.s32 s23, s3  }
0x10: {  	s13 =	sadd.s32 s24, s3;
	s14 =	sadd.s32 s25, s4;
	s15 =	sadd.s32 s28, s3  }
0x11: {  	s16 =	sadd.s32 s16, s4;
	s23 =	simm.s32 $0x7680;
	s24 =	simm.s32 $0x3  }
0x12: {  	s25 =	simm.s32 $0x15C80;
	s20 =	sadd.s32 s10, s0;
	s10 =	sadd.s32 s21, s3  }
0x13: {  	s0 =	sadd.s32 s9, s0;
	s9 =	sshll.u32 s19, $0x4;
	[dreg:$0x5] =	wrdreg s10  }
0x14: {  	s9 =	sadd.s32 s9, s4;
	s17 =	sadd.s32 $0xC000, s0;
	s18 =	sadd.s32 $0x29800, s0  }
0x15: {  	s19 =	sadd.s32 $0x2200, s0;
	s20 =	sadd.s32 $0x5B600, s20;
	s21 =	sadd.s32 $0x82E00, s0  }
0x16: {  	v0 =	vimm.f32 $0.0e+00;
	vm0 =	vcmask $0x300;
	s0 =	simm.s32 $0x15480;
	[dreg:$0x6] =	wrdreg s9;
	s9 =	sshll.u32 s22, $0x4  }
0x17: {  	v1 =	vsel vm0, $0x3F800000, v0;
	s22 =	smax.u32 s2, $0x1;
	s2 =	simm.s32 $0x2;
	s12 =	sadd.s32 s9, s4  }
.LBB2_1:
0x18: {  	s26 =	simm.s32 $0x76A0  }
0x19: {  	[tilespmem:s26+$0xFFFFFFE0] =	vst v0  }
0x1a: {  	[tilespmem:s26+$0x10] =	vst v0  }
0x1b: {  	[tilespmem:s26+$0x0] =	vst v0  }
0x1c: {  	s28 =	simm.s32 $0x40;
	s9 =	simm.s32 $0x0;
	[tilespmem:s26+$0xFFFFFFF0] =	vst v0  }
.LBB2_2:
0x1d: {  	p0 =	sne.s32 s28, $0x1FC0  }
0x1e: {  	[tilespmem:s9+$0x15480] =	vst v1;
	s26 =	sadd.s32 $0x40, s26;
	s10 =	smov.u32 s28;
	s28 =	sadd.s32 $0x40, s28  }
.Ltmp0:
0x1f: {  	[tilespmem:s9+$0x15C80] =	vst v0;
	(pc) =	sbr.rel @p0 .LBB2_2-.Ltmp0, $4  }
0x20: {  	[tilespmem:s26+$0xFFFFFFE0] =	vst v0  }
0x21: {  	[tilespmem:s26+$0x10] =	vst v0  }
0x22: {  	[tilespmem:s26+$0x0] =	vst v0  }
0x23: {  	s9 =	sshra.s32 s10, $0x2;
	[tilespmem:s26+$0xFFFFFFF0] =	vst v0  }
0x24: {  	[tilespmem:s9+$0x15480] =	vst v1  }
0x25: {  	[tilespmem:s9+$0x15C80] =	vst v0  }
0x26: {  	[spmem:s7] =	stream.linear.scatter [tilespmem:s23], [sflag:$0x3], $0x2000, $0x38;
	[tilespmem:$0x18C00] =	vst v63  }
0x27: {  	_ =	swait.ge [sflag:s24], $0x2000  }
0x28: {  	[sflag:s24] =	ssyncset.done $0x0  }
0x29: {  	[sflag:s24] =	ssyncadd.s32 $0xFFFFE000  }
0x2a: {  	[spmem:s8] =	stream.linear.scatter [tilespmem:s25], [sflag:$0x3], $0x800, $0x38;
	[tilespmem:$0x18C00] =	vst v63  }
0x2b: {  	_ =	swait.ge [sflag:s24], $0x800  }
0x2c: {  	[sflag:s24] =	ssyncset.done $0x0  }
0x2d: {  	s28 =	rddreg [dreg:$0x5];
	[sflag:s24] =	ssyncadd.s32 $0xFFFFF800  }
0x2e: {  	[spmem:s28] =	stream.linear.scatter [tilespmem:s23], [sflag:$0x3], $0x2000, $0x38;
	[tilespmem:$0x18C00] =	vst v63  }
0x2f: {  	_ =	swait.ge [sflag:s24], $0x2000  }
0x30: {  	[sflag:s24] =	ssyncset.done $0x0  }
0x31: {  	s10 =	rddreg [dreg:$0x6];
	[sflag:s24] =	ssyncadd.s32 $0xFFFFE000  }
0x32: {  	[spmem:s10] =	stream.linear.scatter [tilespmem:s25], [sflag:$0x3], $0x800, $0x38;
	[tilespmem:$0x18C00] =	vst v63  }
0x33: {  	_ =	swait.ge [sflag:s24], $0x800  }
0x34: {  	[sflag:s24] =	ssyncset.done $0x0  }
0x35: {  	[sflag:s24] =	ssyncadd.s32 $0xFFFFF800  }
0x36: {  	[spmem:s11] =	stream.linear.scatter [tilespmem:s23], [sflag:$0x3], $0x2000, $0x38;
	[tilespmem:$0x18C00] =	vst v63  }
0x37: {  	_ =	swait.ge [sflag:s24], $0x2000  }
0x38: {  	[sflag:s24] =	ssyncset.done $0x0  }
0x39: {  	[sflag:s24] =	ssyncadd.s32 $0xFFFFE000  }
0x3a: {  	[spmem:s12] =	stream.linear.scatter [tilespmem:s25], [sflag:$0x3], $0x800, $0x38;
	[tilespmem:$0x18C00] =	vst v63  }
0x3b: {  	_ =	swait.ge [sflag:s24], $0x800  }
0x3c: {  	[sflag:s24] =	ssyncset.done $0x0  }
0x3d: {  	[sflag:s24] =	ssyncadd.s32 $0xFFFFF800  }
0x3e: {  	[spmem:s13] =	stream.linear.scatter [tilespmem:s23], [sflag:$0x3], $0x2000, $0x38;
	[tilespmem:$0x18C00] =	vst v63  }
0x3f: {  	_ =	swait.ge [sflag:s24], $0x2000  }
0x40: {  	[sflag:s24] =	ssyncset.done $0x0  }
0x41: {  	[sflag:s24] =	ssyncadd.s32 $0xFFFFE000  }
0x42: {  	[spmem:s14] =	stream.linear.scatter [tilespmem:s25], [sflag:$0x3], $0x800, $0x38;
	[tilespmem:$0x18C00] =	vst v63  }
0x43: {  	_ =	swait.ge [sflag:s24], $0x800  }
0x44: {  	[sflag:s24] =	ssyncset.done $0x0  }
0x45: {  	[sflag:s24] =	ssyncadd.s32 $0xFFFFF800  }
0x46: {  	[spmem:s15] =	stream.linear.scatter [tilespmem:s23], [sflag:$0x3], $0x1E00, $0x38;
	[tilespmem:$0x18C00] =	vst v63  }
0x47: {  	_ =	swait.ge [sflag:s24], $0x1E00  }
0x48: {  	[sflag:s24] =	ssyncset.done $0x0  }
0x49: {  	[sflag:s24] =	ssyncadd.s32 $0xFFFFE200  }
0x4a: {  	[spmem:s16] =	stream.linear.scatter [tilespmem:s25], [sflag:$0x3], $0x780, $0x38;
	[tilespmem:$0x18C00] =	vst v63  }
0x4b: {  	_ =	swait.ge [sflag:s24], $0x780  }
0x4c: {  	[sflag:s24] =	ssyncset.done $0x0  }
0x4d: {  	[sflag:s24] =	ssyncadd.s32 $0xFFFFF880  }
0x4e: {  	s26 =	simm.s32 $0x0;
	[bflag:$0x0] =	sbarrier.arrive $0xFFFF  }
0x4f: {  	[tilespmem:s26], [sflag:$0x3] =	stream.linear.gather [hbm4b:s17+s26], $0x2780, $0x38;
	[tilespmem:$0x18C00] =	vst v63  }
0x50: {  	_ =	swait.ge [sflag:s24], $0x2780  }
0x51: {  	[sflag:s24] =	ssyncset.done $0x0  }
0x52: {  	s10 =	simm.s32 $0x2780;
	[sflag:s24] =	ssyncadd.s32 $0xFFFFD880  }
0x53: {  	[tilespmem:s10], [sflag:$0x3] =	stream.linear.gather [hbm4b:s18+s26], $0x2780, $0x38;
	[tilespmem:$0x18C00] =	vst v63  }
0x54: {  	_ =	swait.ge [sflag:s24], $0x2780  }
0x55: {  	[sflag:s24] =	ssyncset.done $0x0  }
0x56: {  	s28 =	simm.s32 $0x4F00;
	[sflag:s24] =	ssyncadd.s32 $0xFFFFD880  }
0x57: {  	[tilespmem:s28], [sflag:$0x3] =	stream.linear.gather [hbm4b:s19+s26], $0x2780, $0x38;
	[tilespmem:$0x18C00] =	vst v63  }
0x58: {  	_ =	swait.ge [sflag:s24], $0x2780  }
0x59: {  	[sflag:s24] =	ssyncset.done $0x0  }
0x5a: {  	s10 =	simm.s32 $0x0;
	[sflag:s24] =	ssyncadd.s32 $0xFFFFD880  }
0x5b: {  	[tilespmem:s23], [sflag:$0x1] =	stream.indirect.gather [hbm4b:s1+s29], $0x40, s10, s29, $0xb8;
	[tilespmem:$0x18C00] =	vst v63  }
0x5c: {  	s26 =	simm.s32 $0x4F00  }
0x5d: {  	[tilespmem:s30], [sflag:$0x2] =	stream.indirect.gather [hbm4b:s6+s29], $0x40, s26, s29, $0xb8;
	[tilespmem:$0x18C00] =	vst v63  }
0x5e: {  	_ =	swait.ge [sflag:s31], $0x2000  }
0x5f: {  	[sflag:s31] =	ssyncset.done $0x0  }
0x60: {  	[sflag:s31] =	ssyncadd.s32 $0xFFFFE000  }
0x61: {  	_ =	swait.ge [sflag:s2], $0x2000  }
0x62: {  	[sflag:s2] =	ssyncset.done $0x0  }
0x63: {  	s28 =	simm.s32 $0x2780;
	[sflag:s2] =	ssyncadd.s32 $0xFFFFE000  }
0x64: {  	[spmem:s3] =	stream.indirect.scatter.add.f32 [tilespmem:s23], [sflag:$0x3], $0x40, s28, s29, $0xb8;
	[tilespmem:$0x18C00] =	vst v63  }
0x65: {  	_ =	swait.ge [sflag:s24], $0x2000  }
0x66: {  	[sflag:s24] =	ssyncset.done $0x0  }
0x67: {  	[sflag:s24] =	ssyncadd.s32 $0xFFFFE000  }
0x68: {  	[spmem:s3] =	stream.indirect.scatter.add.f32 [tilespmem:s30], [sflag:$0x3], $0x40, s28, s29, $0xb8;
	[tilespmem:$0x18C00] =	vst v63  }
0x69: {  	_ =	swait.ge [sflag:s24], $0x2000  }
0x6a: {  	[sflag:s24] =	ssyncset.done $0x0  }
0x6b: {  	[sflag:s24] =	ssyncadd.s32 $0xFFFFE000  }
0x6c: {  	[spmem:s4] =	stream.indirect.scatter.add.f32 [tilespmem:s0], [sflag:$0x3], $0x10, s28, s29, $0xb8;
	[tilespmem:$0x18C00] =	vst v63  }
0x6d: {  	_ =	swait.ge [sflag:s24], $0x800  }
0x6e: {  	s9 =	simm.s32 $0x400;
	s26 =	simm.s32 $0x200;
	[sflag:s24] =	ssyncset.done $0x0  }
.LBB2_4:
0x6f: {  	s10 =	sshra.s32 s26, $0x2  }
0x70: {  	[sflag:s24] =	ssyncadd.s32 $0xFFFFF800;
	s26 =	smov.u32 s9;
	s28 =	sadd.s32 $0x200, s9  }
0x71: {  	[tilespmem:s23], [sflag:$0x1] =	stream.indirect.gather [hbm4b:s1+s29], $0x40, s10, s29, $0xb8;
	[tilespmem:$0x18C00] =	vst v63  }
0x72: {  	p0 =	sne.s32 s9, $0x9C00;
	s9 =	sadd.s32 $0x4F00, s10  }
0x73: {  	[tilespmem:s30], [sflag:$0x2] =	stream.indirect.gather [hbm4b:s6+s29], $0x40, s9, s29, $0xb8;
	[tilespmem:$0x18C00] =	vst v63  }
0x74: {  	_ =	swait.ge [sflag:s31], $0x2000  }
0x75: {  	[sflag:s31] =	ssyncset.done $0x0  }
0x76: {  	[sflag:s31] =	ssyncadd.s32 $0xFFFFE000  }
0x77: {  	_ =	swait.ge [sflag:s2], $0x2000  }
0x78: {  	[sflag:s2] =	ssyncset.done $0x0  }
0x79: {  	s9 =	sadd.s32 $0x2780, s10;
	[sflag:s2] =	ssyncadd.s32 $0xFFFFE000  }
0x7a: {  	[spmem:s3] =	stream.indirect.scatter.add.f32 [tilespmem:s23], [sflag:$0x3], $0x40, s9, s29, $0xb8;
	[tilespmem:$0x18C00] =	vst v63  }
0x7b: {  	_ =	swait.ge [sflag:s24], $0x2000  }
0x7c: {  	[sflag:s24] =	ssyncset.done $0x0  }
0x7d: {  	[sflag:s24] =	ssyncadd.s32 $0xFFFFE000  }
0x7e: {  	[spmem:s3] =	stream.indirect.scatter.add.f32 [tilespmem:s30], [sflag:$0x3], $0x40, s9, s29, $0xb8;
	[tilespmem:$0x18C00] =	vst v63  }
0x7f: {  	_ =	swait.ge [sflag:s24], $0x2000  }
.Ltmp1:
0x80: {  	[sflag:s24] =	ssyncset.done $0x0;
	(pc) =	sbr.rel @p0 .LBB2_4-.Ltmp1, $4  }
0x81: {  	[sflag:s24] =	ssyncadd.s32 $0xFFFFE000  }
0x82: {  	[spmem:s4] =	stream.indirect.scatter.add.f32 [tilespmem:s0], [sflag:$0x3], $0x10, s9, s29, $0xb8;
	[tilespmem:$0x18C00] =	vst v63  }
0x83: {  	_ =	swait.ge [sflag:s24], $0x800  }
0x84: {  	s9 =	smov.u32 s28;
	[sflag:s24] =	ssyncset.done $0x0  }
0x85: {  	s9 =	sshra.s32 s26, $0x2;
	[sflag:s24] =	ssyncadd.s32 $0xFFFFF800  }
0x86: {  	[tilespmem:s23], [sflag:$0x1] =	stream.indirect.gather [hbm4b:s1+s29], $0x40, s9, s29, $0xb8;
	[tilespmem:$0x18C00] =	vst v63  }
0x87: {  	s10 =	sadd.s32 $0x4F00, s9  }
0x88: {  	[tilespmem:s30], [sflag:$0x2] =	stream.indirect.gather [hbm4b:s6+s29], $0x40, s10, s29, $0xb8;
	[tilespmem:$0x18C00] =	vst v63  }
0x89: {  	_ =	swait.ge [sflag:s31], $0x2000  }
0x8a: {  	[sflag:s31] =	ssyncset.done $0x0  }
0x8b: {  	[sflag:s31] =	ssyncadd.s32 $0xFFFFE000  }
0x8c: {  	_ =	swait.ge [sflag:s2], $0x2000  }
0x8d: {  	[sflag:s2] =	ssyncset.done $0x0  }
0x8e: {  	s9 =	sadd.s32 $0x2780, s9;
	[sflag:s2] =	ssyncadd.s32 $0xFFFFE000  }
0x8f: {  	[spmem:s3] =	stream.indirect.scatter.add.f32 [tilespmem:s23], [sflag:$0x3], $0x40, s9, s29, $0xb8;
	[tilespmem:$0x18C00] =	vst v63  }
0x90: {  	_ =	swait.ge [sflag:s24], $0x2000  }
0x91: {  	[sflag:s24] =	ssyncset.done $0x0  }
0x92: {  	[sflag:s24] =	ssyncadd.s32 $0xFFFFE000  }
0x93: {  	[spmem:s3] =	stream.indirect.scatter.add.f32 [tilespmem:s30], [sflag:$0x3], $0x40, s9, s29, $0xb8;
	[tilespmem:$0x18C00] =	vst v63  }
0x94: {  	_ =	swait.ge [sflag:s24], $0x2000  }
0x95: {  	[sflag:s24] =	ssyncset.done $0x0  }
0x96: {  	[sflag:s24] =	ssyncadd.s32 $0xFFFFE000  }
0x97: {  	[spmem:s4] =	stream.indirect.scatter.add.f32 [tilespmem:s0], [sflag:$0x3], $0x10, s9, s29, $0xb8;
	[tilespmem:$0x18C00] =	vst v63  }
0x98: {  	_ =	swait.ge [sflag:s24], $0x800  }
0x99: {  	s10 =	stileid.u32;
	[sflag:s24] =	ssyncset.done $0x0  }
0x9a: {  	s9 =	sshll.u32 s10, $0x6;
	[sflag:s24] =	ssyncadd.s32 $0xFFFFF800  }
0x9b: {  	s26 =	sshrl.u32 s7, $0x3;
	s9 =	sor.u32 $0x1C03, s9;
	[bflag:$0x0] =	sbarrier.arrive $0xFFFF  }
0x9c: {  	[hbm:s20], [sflag:s9] =	dma.local [spmem:s26], $0x13C0  }
0x9d: {  	s5 =	sadd.s32 $0x1, s5;
	_ =	swait.ge [sflag:s24], $0x13C0  }
0x9e: {  	p0 =	sne.s32 s5, s22;
	[sflag:s24] =	ssyncset.done $0x0  }
.Ltmp2:
0x9f: {  	s28 =	sshrl.u32 s8, $0x3;
	[sflag:s24] =	ssyncadd.s32 $0xFFFFEC40;
	(pc) =	sbr.rel @p0 .LBB2_1-.Ltmp2, $4  }
0xa0: {  	[hbm:s21], [sflag:s9] =	dma.local [spmem:s28], $0x4F0  }
0xa1: {  	_ =	swait.ge [sflag:s24], $0x4F0  }
0xa2: {  	[sflag:s24] =	ssyncset.done $0x0  }
0xa3: {  	[sflag:s24] =	ssyncadd.s32 $0xFFFFFB10  }
0xa4: {  	_ =	sfence.sel $0x180000  }
0xa5: {  	[bflag:$0x0] =	sbarrier.arrive $0xFFFF  }
0xa6: {  	_ =	strace $0x9000004A  }
0xa7: {  	s0 =	stileid.u32;
	[bflag:$0x2] =	sbarrier.arrive $0xFFFF  }
0xa8: {  	p0 =	sne.s32 s0, $0x0;
	s0 =	rddreg [dreg:$0x4]  }
0xa9: {  	s0 =	sadd.s32 @!p0 $0x100000, s0  }
0xaa: {  	[sflag:s0] =	ssyncadd.tile.s32 @!p0 $0x1;
	_ =	shalt  }
.Lfunc_end2:
_tile_overlayer_lowered:
.L_overlay_start_2:
0xab: {  	(tag) =	ssettag $0x2  }
0xac: {  	s0 =	rddreg [dreg:$0x0];
	s2 =	stileid.u32  }
0xad: {  	s1 =	rddreg [dreg:$0x1];
	p0 =	sne.s32 s2, $0x0  }
0xae: {  	s3 =	rddreg [dreg:$0x2];
	[bflag:$0x3] =	sbarrier.arrive $0xFFFF;
	s2 =	simm.s32 @!p0 $0x1C03  }
0xaf: {  	[timem:s3], [sflag:s2] =	dma.local @!p0 [hbm:s0], s1  }
0xb0: {  	s0 =	simm.s32 @!p0 $0x3  }
0xb1: {  	_ =	swait.ge @!p0 [sflag:s0], s1  }
0xb2: {  	s1 =	ssub.s32 @!p0 $0x0, s1;
	[sflag:s0] =	ssyncset.done @!p0 $0x0  }
0xb3: {  	[sflag:s0] =	ssyncadd.s32 @!p0 s1  }
0xb4: {  	[bflag:$0x3] =	sbarrier.arrive $0xFFFF  }
0xb5: {  	_ =	shalt  }

// kernel: kernel.8.cloned.1.call-start
scs
__scs_entry_jumppad:
0x0: {  	(pc) =	sbr.rel $0x88, $3  }
0x1: {  	(tag) =	ssettag $0x0;
	lr =	simm.s32 $0x1  }
0x2: {  	[smem:$0x3F9A] =	sst lr;
	_ =	strace $0xD0000000  }
0x3: {  	_ = 	snop  }
0x4: {  	_ = 	snop  }
0x5: {  	_ = 	snop  }
0x6: {  	_ = 	snop  }
0x7: {  	_ = 	snop  }
__scs_overlays_trampoline_lowered:
0x8: {  	[smem:$0x3FA9] =	sst s0  }
0x9: {  	[smem:$0x3FAA] =	sst s1  }
0xa: {  	[smem:$0x3FAB] =	sst s2  }
0xb: {  	[smem:$0x3FAC] =	sst s3  }
0xc: {  	[smem:$0x3FAD] =	sst s4  }
0xd: {  	[smem:$0x3FAE] =	sst s5  }
0xe: {  	[smem:$0x3FAF] =	sst s6  }
0xf: {  	[smem:$0x3FB0] =	sst s7  }
0x10: {  	[smem:$0x3FB1] =	sst s8  }
0x11: {  	[smem:$0x3FB2] =	sst s9;
	s0 =	simm.s32 @!p0 $0x0  }
0x12: {  	s1 =	sld [smem:$0x3F98];
	s0 =	simm.s32 @p0 $0x1  }
0x13: {  	[smem:$0x3FB3] =	sst s0;
	s0 =	simm.s32 @!p1 $0x0  }
0x14: {  	s2 =	sld [smem:$0x3F97];
	s0 =	simm.s32 @p1 $0x1  }
0x15: {  	[smem:$0x3FB4] =	sst s0;
	s0 =	simm.s32 @!p2 $0x0  }
0x16: {  	s3 =	sld [smem:$0x3FDB];
	s0 =	simm.s32 @p2 $0x1  }
0x17: {  	s4 =	simm.s32 $0x1BF5;
	[smem:$0x3FB6] =	sst s0  }
0x18: {  	s0 =	sld [smem:$0x3F99];
	_ =	swait.ge [sflag:s4], $0x0  }
0x19: {  	s7 =	sld [smem:$0x3F9A]  }
0x1a: {  	s8 =	sadd.s32 $0xFFFFE003, lr  }
0x1b: {  	s9 =	sadd.s32 $0xFFFFFEF7, lr;
	s5 =	simm.s32 $0xFFFFFFFF;
	p2 =	slt.u32 s8, $0xFFFFF086  }
0x1c: {  	p1 =	slt.u32 s9, $0xF7A;
	s5 =	simm.s32 @!p2 $0x0  }
0x1d: {  	s5 =	simm.s32 @p1 $0x1;
	p0 =	seq.s32 s7, s2  }
0x1e: {  	s7 =	smul.u32 @!p0 $0xF7A, s2;
	p2 =	seq.s32 @!p0 s5, $0x0  }
0x1f: {  	s9 =	smul.u32 $0xF7A, s1;
	s8 =	simm.s32 @!p0 $0x1BF5;
	p2 =	por !p2, p0  }
0x20: {  	[sflag:s8] =	ssyncset.s32 @!p0 $0xFFFFF086;
	s6 =	sadd.s32 @!p0 s3, s7;
	s7 =	simm.s32 @!p0 $0x108  }
0x21: {  	s3 =	sadd.s32 s3, s9;
	s6 =	sadd.s32 @!p0 $0x88, s6;
	s7 =	simm.s32 @p2 $0x1082  }
0x22: {  	[simem:s7], [sflag:s8] =	dma.local @!p0 [hbm:s6], $0xF7A  }
0x23: {  	s9 =	sor.u32 $0xD0000000, s2;
	s6 =	simm.s32 $0x108;
	_ =	swait.ge @!p0 [sflag:s8], $0x0  }
0x24: {  	s3 =	sadd.s32 $0x88, s3;
	s6 =	simm.s32 @!p1 $0x1082;
	[sflag:s4] =	ssyncset.s32 $0xFFFFF086  }
0x25: {  	[simem:s6], [sflag:s4] =	dma.local [hbm:s3], $0xF7A  }
0x26: {  	[smem:$0x3F9A] =	sst s1;
	(tag) =	ssettag s2;
	_ =	strace s9  }
0x27: {  	s1 =	sld [smem:$0x3FAA]  }
0x28: {  	s2 =	sld [smem:$0x3FAB]  }
0x29: {  	s4 =	sld [smem:$0x3FAD]  }
0x2a: {  	p0 =	seq.s32 s5, $0x0;
	s5 =	sld [smem:$0x3FAE]  }
0x2b: {  	s6 =	sld [smem:$0x3FAF]  }
0x2c: {  	s7 =	sld [smem:$0x3FB0]  }
0x2d: {  	s3 =	simm.s32 $0x108;
	s8 =	sld [smem:$0x3FB1]  }
0x2e: {  	s3 =	simm.s32 @!p0 $0x1082;
	s9 =	sld [smem:$0x3FB2]  }
0x2f: {  	lr =	sadd.s32 s0, s3;
	s0 =	sld [smem:$0x3FA9]  }
0x30: {  	s3 =	sld [smem:$0x3FAC]  }
0x31: {  	[smem:$0x3FB5] =	sst s10  }
0x32: {  	s10 =	sld [smem:$0x3FB3];
	_ =	sdelay $0x3  }
0x33: {  	p0 =	seq.s32 s10, $0x1;
	s10 =	sld [smem:$0x3FB5];
	_ =	sdelay $0x3  }
0x34: {  	[smem:$0x3FB5] =	sst s10  }
0x35: {  	s10 =	sld [smem:$0x3FB4];
	_ =	sdelay $0x3  }
0x36: {  	p1 =	seq.s32 s10, $0x1;
	s10 =	sld [smem:$0x3FB5];
	_ =	sdelay $0x3  }
0x37: {  	[smem:$0x3FB5] =	sst s10  }
0x38: {  	s10 =	sld [smem:$0x3FB6]  }
0x39: {  	_ = 	snop;
	(pc) =	sbr.ind lr, $3  }
0x3a: {  	_ = 	snop  }
0x3b: {  	_ = 	snop  }
0x3c: {  	p2 =	seq.s32 s10, $0x1;
	s10 =	sld [smem:$0x3FB5]  }
0x3d: {  	_ =	shalt  }
0x3e: {  	_ =	shalt  }
0x3f: {  	_ =	shalt  }
0x40: {  	_ =	shalt  }
0x41: {  	_ =	shalt  }
0x42: {  	_ =	shalt  }
0x43: {  	_ =	shalt  }
0x44: {  	_ =	shalt  }
0x45: {  	_ =	shalt  }
0x46: {  	_ =	shalt  }
0x47: {  	_ =	shalt  }
0x48: {  	_ =	shalt  }
0x49: {  	_ =	shalt  }
0x4a: {  	_ =	shalt  }
0x4b: {  	_ =	shalt  }
0x4c: {  	_ =	shalt  }
0x4d: {  	_ =	shalt  }
0x4e: {  	_ =	shalt  }
0x4f: {  	_ =	shalt  }
0x50: {  	_ =	shalt  }
0x51: {  	_ =	shalt  }
0x52: {  	_ =	shalt  }
0x53: {  	_ =	shalt  }
0x54: {  	_ =	shalt  }
0x55: {  	_ =	shalt  }
0x56: {  	_ =	shalt  }
0x57: {  	_ =	shalt  }
0x58: {  	_ =	shalt  }
0x59: {  	_ =	shalt  }
0x5a: {  	_ =	shalt  }
0x5b: {  	_ =	shalt  }
0x5c: {  	_ =	shalt  }
0x5d: {  	_ =	shalt  }
0x5e: {  	_ =	shalt  }
0x5f: {  	_ =	shalt  }
0x60: {  	_ =	shalt  }
0x61: {  	_ =	shalt  }
0x62: {  	_ =	shalt  }
0x63: {  	_ =	shalt  }
0x64: {  	_ =	shalt  }
0x65: {  	_ =	shalt  }
0x66: {  	_ =	shalt  }
0x67: {  	_ =	shalt  }
0x68: {  	_ =	shalt  }
0x69: {  	_ =	shalt  }
0x6a: {  	_ =	shalt  }
0x6b: {  	_ =	shalt  }
0x6c: {  	_ =	shalt  }
0x6d: {  	_ =	shalt  }
0x6e: {  	_ =	shalt  }
0x6f: {  	_ =	shalt  }
0x70: {  	_ =	shalt  }
0x71: {  	_ =	shalt  }
0x72: {  	_ =	shalt  }
0x73: {  	_ =	shalt  }
0x74: {  	_ =	shalt  }
0x75: {  	_ =	shalt  }
0x76: {  	_ =	shalt  }
0x77: {  	_ =	shalt  }
0x78: {  	_ =	shalt  }
0x79: {  	_ =	shalt  }
0x7a: {  	_ =	shalt  }
0x7b: {  	_ =	shalt  }
0x7c: {  	_ =	shalt  }
0x7d: {  	_ =	shalt  }
0x7e: {  	_ =	shalt  }
0x7f: {  	_ =	shalt  }
0x80: {  	_ =	shalt  }
0x81: {  	_ =	shalt  }
0x82: {  	_ =	shalt  }
0x83: {  	_ =	shalt  }
0x84: {  	_ =	shalt  }
0x85: {  	_ =	shalt  }
0x86: {  	_ =	shalt  }
0x87: {  	_ =	shalt  }
.Lfunc_end0:
.L_simem_size_0:
called_computation.1_lowered:
.L_overlay_start_0:
0x88: {  	s2 =	sld [smem:$0x3FD9]  }
0x89: {  	s3 =	sld [smem:$0x3FFE];
	_ =	sdelay $0x1  }
0x8a: {  	s1 =	srdreg.scid  }
0x8b: {  	s0 =	sand.u32 $0x1, s1  }
0x8c: {  	s16 =	sshll.u32 s0, $0xA;
	s2 =	sadd.s32 s3, s2  }
0x8d: {  	s2 =	sadd.s32 s2, s16  }
0x8e: {  	[smem:$0x3FC1] =	sst s2  }
0x8f: {  	_ = 	snop  }
0x90: {  	(tm) =	ssettm $0x1  }
0x91: {  	s17 =	sld [smem:$0x3FFB];
	_ =	sdelay $0x3  }
0x92: {  	_ =	strace s17  }
0x93: {  	s2 =	sld [smem:$0x3FFC];
	_ =	sdelay $0x3  }
0x94: {  	_ =	strace s2  }
0x95: {  	s2 =	sld [smem:$0x3FFD];
	_ =	sdelay $0x3  }
0x96: {  	_ =	strace s2  }
0x97: {  	_ =	strace $0x8FFFFFFF  }
0x98: {  	s18 =	sld [smem:$0x3FDB];
	_ =	sdelay $0x1  }
0x99: {  	s19 =	simm.s32 $_scs_section_size  }
0x9a: {  	s4 =	simm.s32 $_size__tile_overlayer_lowered;
	s5 =	simm.s32 $_tile_overlayer_lowered  }
0x9b: {  	s22 =	simm.s32 $0x1BFF;
	s21 =	sshll.u32 s5, $0x1;
	s2 =	sadd.s32 s19, s18  }
0x9c: {  	s6 =	simm.s32 $0x0;
	s20 =	sshll.u32 s4, $0x1;
	s4 =	sadd.s32 s21, s2  }
0x9d: {  	[timem:s6], [sflag:s22] =	dma.local [hbm:s4], s20  }
0x9e: {  	_ =	swait.ge [sflag:s22], s20  }
0x9f: {  	s3 =	ssub.s32 $0x0, s20;
	[sflag:s22] =	ssyncset.done $0x0  }
0xa0: {  	[sflag:s22] =	ssyncadd.s32 s3;
	_ =	sdelay $0x1  }
0xa1: {  	s23 =	simm.s32 $0x1B8B  }
0xa2: {  	_ =	swait.ge [sflag:s23], $0x1  }
0xa3: {  	[sflag:s23] =	ssyncset.done $0x0  }
0xa4: {  	s25 =	simm.s32 $0x1B8E;
	s24 =	sld [smem:$0x3FFE];
	[sflag:s23] =	ssyncadd.s32 $0xFFFFFFFF  }
0xa5: {  	s26 =	simm.s32 $execute0_lowered;
	[smem:$0x3FD2] =	sst s25  }
0xa6: {  	s4 =	sshll.u32 s26, $0x1;
	_ =	strace $0x80000046;
	[dreg:$0x1] =	wrdreg $0xFFFFFFFF  }
0xa7: {  	s28 =	simm.s32 $_size_execute0_lowered;
	s2 =	sadd.s32 s2, s4;
	[dreg:$0x0] =	wrdreg $0x0  }
0xa8: {  	s4 =	sshll.u32 s28, $0x1;
	[dreg:$0x2] =	wrdreg s2  }
0xa9: {  	[dreg:$0x3] =	wrdreg s4  }
0xaa: {  	[dreg:$0x4] =	wrdreg $0xC0  }
0xab: {  	_ =	task [dreg:s6], $0x5FFFF  }
0xac: {  	[dreg:$0x1] =	wrdreg $0xFFFFFFFF  }
0xad: {  	[dreg:$0x0] =	wrdreg $0x60  }
0xae: {  	[dreg:$0x2] =	wrdreg s24  }
0xaf: {  	[dreg:$0x3] =	wrdreg $0xB6800  }
0xb0: {  	[dreg:$0x4] =	wrdreg $0xA  }
0xb1: {  	_ =	task.clear_ibuf [dreg:s6], $0x5FFFF;
	_ =	strace $0x90000046  }
0xb2: {  	s29 =	simm.s32 $0xA;
	_ =	strace $0x80000048  }
0xb3: {  	_ =	swait.ge [sflag:s29], $0x1  }
0xb4: {  	[sflag:s29] =	ssyncadd.s32 $0xFFFFFFFF  }
0xb5: {  	_ =	strace $0x90000048  }
0xb6: {  	_ =	sfence  }
0xb7: {  	s30 =	sld [smem:$0x0];
	_ =	sdelay $0x2  }
0xb8: {  	s31 =	sshll.u32 s1, $0xD;
	s1 =	sshrl.u32 s1, $0x2  }
0xb9: {  	s3 =	sand.u32 $0x4000, s31;
	s1 =	sadd.s32 s1, s30  }
0xba: {  	s0 =	sor.u32 s3, s0;
	s1 =	sshll.u32 s1, $0x11  }
0xbb: {  	s0 =	sor.u32 s1, s0  }
0xbc: {  	s0 =	sadd.s32 $0x8F2B, s0  }
0xbd: {  	[sflag:s0] =	ssyncadd.remote.s32 $0x1  }
0xbe: {  	_ =	sfence.sel $0xFFFF  }
0xbf: {  	[dreg:$0x0] =	wrdreg $0xFFFFFFFF;
	(pc) =	sbr.abs _section_cstart, $3  }
0xc0: {  	[dreg:$0x1] =	wrdreg $0xFFFFFFFF  }
0xc1: {  	_ =	task.clear_ibuf [dreg:s6], $0x2FFFF;
	_ =	strace $0x9FFFFFFF  }
0xc2: {  	(tm) =	ssettm $0x7FFFFFFF  }
0xc3: {  	_ =	shalt  }
tec
execute0_lowered:
.L_overlay_start_1:
0x0: {  	(tag) =	ssettag $0x1  }
0x1: {  	s6 =	rddreg [dreg:$0x0]  }
0x2: {  	s1 =	rddreg [dreg:$0x1];
	s2 =	srdreg.scid  }
0x3: {  	s0 =	rddreg [dreg:$0x2];
	s3 =	simm.s32 $0x0;
	s16 =	simm.s32 $0x7680  }
0x4: {  	s17 =	simm.s32 $0x3;
	s18 =	simm.s32 $0x2780;
	s7 =	sand.u32 $0x1, s2  }
0x5: {  	s19 =	simm.s32 $0x4F00;
	s2 =	stileid.u32;
	s5 =	smul.u32 $0x27800, s7  }
0x6: {  	s20 =	simm.s32 $0x80;
	s21 =	simm.s32 $0x9680;
	s8 =	smul.u32 $0x2780, s2  }
0x7: {  	s22 =	simm.s32 $0x1;
	s23 =	simm.s32 $0x2;
	s9 =	smul.u32 $0x9E00, s2  }
0x8: {  	[smem:$0x7FF] =	sst s3;
	s4 =	sadd.s32 $0x15E00, s6;
	s10 =	smul.u32 $0x9E000, s7  }
0x9: {  	_ =	strace $0x80000047;
	s11 =	smul.u32 $0x27800, s2;
	s7 =	ssub.s32 $0x2, s7  }
0xa: {  	s30 =	sshrl.u32 s7, $0x1;
	s8 =	sadd.s32 s8, s5;
	s5 =	sadd.s32 $0x1A00, s6  }
0xb: {  	s29 =	sadd.s32 s9, s10;
	s11 =	sshrl.u32 s11, $0x2;
	s15 =	ssub.s32 s7, s30  }
0xc: {  	s8 =	sshrl.u32 s8, $0x3;
	s31 =	sadd.s32 s11, s1;
	s15 =	smax.u32 s15, $0x1  }
0xd: {  	s13 =	sadd.s32 s8, s6;
	s8 =	sshrl.u32 s29, $0x3;
	s7 =	sadd.s32 $0x2000, s31  }
0xe: {  	s10 =	sadd.s32 $0x8000, s31;
	s14 =	sadd.s32 s8, s6;
	s6 =	sadd.s32 s9, s1  }
0xf: {  	s8 =	sadd.s32 $0x4000, s31;
	s9 =	sadd.s32 $0x6000, s31;
	s11 =	sadd.s32 $0xC000, s13  }
0x10: {  	v0 =	vimm.f32 $0.0e+00;
	s12 =	sadd.s32 $0x29800, s13;
	s13 =	sadd.s32 $0x2200, s13;
	s14 =	sadd.s32 $0x33600, s14  }
.LBB2_1:
0x11: {  	s25 =	simm.s32 $0x100;
	s24 =	simm.s32 $0x0  }
.LBB2_2:
0x12: {  	p0 =	sne.s32 s25, $0x7F00;
	[tilespmem:s24+$0x76B0] =	vst v0;
	s26 =	smov.u32 s25;
	s25 =	sadd.s32 $0x100, s25  }
.Ltmp0:
0x13: {  	[tilespmem:s24+$0x76A0] =	vst v0;
	(pc) =	sbr.rel @p0 .LBB2_2-.Ltmp0, $3  }
0x14: {  	[tilespmem:s24+$0x7680] =	vst v0  }
0x15: {  	[tilespmem:s24+$0x7690] =	vst v0;
	_ =	sdelay $0x1  }
0x16: {  	s24 =	sshra.s32 s26, $0x2  }
0x17: {  	[tilespmem:s24+$0x76B0] =	vst v0  }
0x18: {  	[tilespmem:s24+$0x76A0] =	vst v0  }
0x19: {  	[tilespmem:s24+$0x7680] =	vst v0  }
0x1a: {  	[tilespmem:s24+$0x7690] =	vst v0  }
0x1b: {  	[spmem:s6] =	stream.linear.scatter [tilespmem:s16], [sflag:$0x3], $0x2000, $0x38;
	[tilespmem:$0x15480] =	vst v63  }
0x1c: {  	_ =	swait.ge [sflag:s17], $0x2000  }
0x1d: {  	[sflag:s17] =	ssyncset.done $0x0  }
0x1e: {  	[sflag:s17] =	ssyncadd.s32 $0xFFFFE000  }
0x1f: {  	[spmem:s7] =	stream.linear.scatter [tilespmem:s16], [sflag:$0x3], $0x2000, $0x38;
	[tilespmem:$0x15480] =	vst v63  }
0x20: {  	_ =	swait.ge [sflag:s17], $0x2000  }
0x21: {  	[sflag:s17] =	ssyncset.done $0x0  }
0x22: {  	[sflag:s17] =	ssyncadd.s32 $0xFFFFE000  }
0x23: {  	[spmem:s8] =	stream.linear.scatter [tilespmem:s16], [sflag:$0x3], $0x2000, $0x38;
	[tilespmem:$0x15480] =	vst v63  }
0x24: {  	_ =	swait.ge [sflag:s17], $0x2000  }
0x25: {  	[sflag:s17] =	ssyncset.done $0x0  }
0x26: {  	[sflag:s17] =	ssyncadd.s32 $0xFFFFE000  }
0x27: {  	[spmem:s9] =	stream.linear.scatter [tilespmem:s16], [sflag:$0x3], $0x2000, $0x38;
	[tilespmem:$0x15480] =	vst v63  }
0x28: {  	_ =	swait.ge [sflag:s17], $0x2000  }
0x29: {  	[sflag:s17] =	ssyncset.done $0x0  }
0x2a: {  	[sflag:s17] =	ssyncadd.s32 $0xFFFFE000  }
0x2b: {  	[spmem:s10] =	stream.linear.scatter [tilespmem:s16], [sflag:$0x3], $0x1E00, $0x38;
	[tilespmem:$0x15480] =	vst v63  }
0x2c: {  	_ =	swait.ge [sflag:s17], $0x1E00  }
0x2d: {  	[sflag:s17] =	ssyncset.done $0x0  }
0x2e: {  	[sflag:s17] =	ssyncadd.s32 $0xFFFFE200  }
0x2f: {  	s28 =	simm.s32 $0x0;
	[bflag:$0x0] =	sbarrier.arrive $0xFFFF  }
0x30: {  	[tilespmem:s28], [sflag:$0x3] =	stream.linear.gather [hbm4b:s11+s28], $0x2780, $0x38;
	[tilespmem:$0x15480] =	vst v63  }
0x31: {  	_ =	swait.ge [sflag:s17], $0x2780  }
0x32: {  	[sflag:s17] =	ssyncset.done $0x0  }
0x33: {  	[sflag:s17] =	ssyncadd.s32 $0xFFFFD880  }
0x34: {  	[tilespmem:s18], [sflag:$0x3] =	stream.linear.gather [hbm4b:s12+s28], $0x2780, $0x38;
	[tilespmem:$0x15480] =	vst v63  }
0x35: {  	_ =	swait.ge [sflag:s17], $0x2780  }
0x36: {  	[sflag:s17] =	ssyncset.done $0x0  }
0x37: {  	[sflag:s17] =	ssyncadd.s32 $0xFFFFD880  }
0x38: {  	[tilespmem:s19], [sflag:$0x3] =	stream.linear.gather [hbm4b:s13+s28], $0x2780, $0x38;
	[tilespmem:$0x15480] =	vst v63  }
0x39: {  	_ =	swait.ge [sflag:s17], $0x2780  }
0x3a: {  	[sflag:s17] =	ssyncset.done $0x0  }
0x3b: {  	s29 =	simm.s32 $0x0;
	[sflag:s17] =	ssyncadd.s32 $0xFFFFD880  }
0x3c: {  	[tilespmem:s16], [sflag:$0x1] =	stream.indirect.gather [hbm4b:s4+s20], $0x40, s29, s20, $0xb8;
	[tilespmem:$0x15480] =	vst v63  }
0x3d: {  	s30 =	simm.s32 $0x4F00  }
0x3e: {  	[tilespmem:s21], [sflag:$0x2] =	stream.indirect.gather [hbm4b:s5+s20], $0x40, s30, s20, $0xb8;
	[tilespmem:$0x15480] =	vst v63  }
0x3f: {  	_ =	swait.ge [sflag:s22], $0x2000  }
0x40: {  	[sflag:s22] =	ssyncset.done $0x0  }
0x41: {  	[sflag:s22] =	ssyncadd.s32 $0xFFFFE000  }
0x42: {  	_ =	swait.ge [sflag:s23], $0x2000  }
0x43: {  	[sflag:s23] =	ssyncset.done $0x0  }
0x44: {  	s31 =	simm.s32 $0x2780;
	[sflag:s23] =	ssyncadd.s32 $0xFFFFE000  }
0x45: {  	[spmem:s1] =	stream.indirect.scatter.add.f32 [tilespmem:s16], [sflag:$0x3], $0x40, s31, s20, $0xb8;
	[tilespmem:$0x15480] =	vst v63  }
0x46: {  	_ =	swait.ge [sflag:s17], $0x2000  }
0x47: {  	[sflag:s17] =	ssyncset.done $0x0  }
0x48: {  	[sflag:s17] =	ssyncadd.s32 $0xFFFFE000  }
0x49: {  	[spmem:s1] =	stream.indirect.scatter.add.f32 [tilespmem:s21], [sflag:$0x3], $0x40, s31, s20, $0xb8;
	[tilespmem:$0x15480] =	vst v63  }
0x4a: {  	_ =	swait.ge [sflag:s17], $0x2000  }
0x4b: {  	s24 =	simm.s32 $0x200;
	s25 =	simm.s32 $0x400;
	[sflag:s17] =	ssyncset.done $0x0  }
.LBB2_4:
0x4c: {  	s26 =	sshra.s32 s24, $0x2  }
0x4d: {  	[sflag:s17] =	ssyncadd.s32 $0xFFFFE000;
	s24 =	smov.u32 s25;
	s28 =	sadd.s32 $0x200, s25  }
0x4e: {  	[tilespmem:s16], [sflag:$0x1] =	stream.indirect.gather [hbm4b:s4+s20], $0x40, s26, s20, $0xb8;
	[tilespmem:$0x15480] =	vst v63  }
0x4f: {  	p0 =	sne.s32 s25, $0x9C00;
	s25 =	sadd.s32 $0x4F00, s26  }
0x50: {  	[tilespmem:s21], [sflag:$0x2] =	stream.indirect.gather [hbm4b:s5+s20], $0x40, s25, s20, $0xb8;
	[tilespmem:$0x15480] =	vst v63  }
0x51: {  	_ =	swait.ge [sflag:s22], $0x2000  }
0x52: {  	[sflag:s22] =	ssyncset.done $0x0  }
0x53: {  	[sflag:s22] =	ssyncadd.s32 $0xFFFFE000  }
0x54: {  	_ =	swait.ge [sflag:s23], $0x2000  }
0x55: {  	[sflag:s23] =	ssyncset.done $0x0  }
0x56: {  	s25 =	sadd.s32 $0x2780, s26;
	[sflag:s23] =	ssyncadd.s32 $0xFFFFE000  }
0x57: {  	[spmem:s1] =	stream.indirect.scatter.add.f32 [tilespmem:s16], [sflag:$0x3], $0x40, s25, s20, $0xb8;
	[tilespmem:$0x15480] =	vst v63  }
0x58: {  	_ =	swait.ge [sflag:s17], $0x2000  }
.Ltmp1:
0x59: {  	[sflag:s17] =	ssyncset.done $0x0;
	(pc) =	sbr.rel @p0 .LBB2_4-.Ltmp1, $4  }
0x5a: {  	[sflag:s17] =	ssyncadd.s32 $0xFFFFE000  }
0x5b: {  	[spmem:s1] =	stream.indirect.scatter.add.f32 [tilespmem:s21], [sflag:$0x3], $0x40, s25, s20, $0xb8;
	[tilespmem:$0x15480] =	vst v63  }
0x5c: {  	_ =	swait.ge [sflag:s17], $0x2000  }
0x5d: {  	s25 =	smov.u32 s28;
	[sflag:s17] =	ssyncset.done $0x0  }
0x5e: {  	s24 =	sshra.s32 s24, $0x2;
	[sflag:s17] =	ssyncadd.s32 $0xFFFFE000  }
0x5f: {  	[tilespmem:s16], [sflag:$0x1] =	stream.indirect.gather [hbm4b:s4+s20], $0x40, s24, s20, $0xb8;
	[tilespmem:$0x15480] =	vst v63  }
0x60: {  	s25 =	sadd.s32 $0x4F00, s24  }
0x61: {  	[tilespmem:s21], [sflag:$0x2] =	stream.indirect.gather [hbm4b:s5+s20], $0x40, s25, s20, $0xb8;
	[tilespmem:$0x15480] =	vst v63  }
0x62: {  	_ =	swait.ge [sflag:s22], $0x2000  }
0x63: {  	[sflag:s22] =	ssyncset.done $0x0  }
0x64: {  	[sflag:s22] =	ssyncadd.s32 $0xFFFFE000  }
0x65: {  	_ =	swait.ge [sflag:s23], $0x2000  }
0x66: {  	[sflag:s23] =	ssyncset.done $0x0  }
0x67: {  	s24 =	sadd.s32 $0x2780, s24;
	[sflag:s23] =	ssyncadd.s32 $0xFFFFE000  }
0x68: {  	[spmem:s1] =	stream.indirect.scatter.add.f32 [tilespmem:s16], [sflag:$0x3], $0x40, s24, s20, $0xb8;
	[tilespmem:$0x15480] =	vst v63  }
0x69: {  	_ =	swait.ge [sflag:s17], $0x2000  }
0x6a: {  	[sflag:s17] =	ssyncset.done $0x0  }
0x6b: {  	[sflag:s17] =	ssyncadd.s32 $0xFFFFE000  }
0x6c: {  	[spmem:s1] =	stream.indirect.scatter.add.f32 [tilespmem:s21], [sflag:$0x3], $0x40, s24, s20, $0xb8;
	[tilespmem:$0x15480] =	vst v63  }
0x6d: {  	_ =	swait.ge [sflag:s17], $0x2000  }
0x6e: {  	s30 =	sshll.u32 s2, $0x6;
	s3 =	sadd.s32 $0x1, s3;
	[sflag:s17] =	ssyncset.done $0x0  }
0x6f: {  	s31 =	sshrl.u32 s6, $0x3;
	p0 =	sne.s32 s3, s15;
	[sflag:s17] =	ssyncadd.s32 $0xFFFFE000  }
.Ltmp2:
0x70: {  	s24 =	sor.u32 $0x1C03, s30;
	[bflag:$0x0] =	sbarrier.arrive $0xFFFF;
	(pc) =	sbr.rel @p0 .LBB2_1-.Ltmp2, $4  }
0x71: {  	[hbm:s14], [sflag:s24] =	dma.local [spmem:s31], $0x13C0  }
0x72: {  	_ =	swait.ge [sflag:s17], $0x13C0  }
0x73: {  	[sflag:s17] =	ssyncset.done $0x0  }
0x74: {  	[sflag:s17] =	ssyncadd.s32 $0xFFFFEC40  }
0x75: {  	_ =	sfence.sel $0x180000  }
0x76: {  	[bflag:$0x0] =	sbarrier.arrive $0xFFFF  }
0x77: {  	p0 =	sne.s32 s2, $0x0;
	_ =	strace $0x90000047  }
0x78: {  	s0 =	sadd.s32 @!p0 $0x100000, s0;
	[bflag:$0x2] =	sbarrier.arrive $0xFFFF  }
0x79: {  	[sflag:s0] =	ssyncadd.tile.s32 @!p0 $0x1;
	_ =	shalt  }
.Lfunc_end2:
_tile_overlayer_lowered:
.L_overlay_start_2:
0x7a: {  	(tag) =	ssettag $0x2  }
0x7b: {  	s0 =	rddreg [dreg:$0x0];
	s2 =	stileid.u32  }
0x7c: {  	s1 =	rddreg [dreg:$0x1];
	p0 =	sne.s32 s2, $0x0  }
0x7d: {  	s3 =	rddreg [dreg:$0x2];
	[bflag:$0x3] =	sbarrier.arrive $0xFFFF;
	s2 =	simm.s32 @!p0 $0x1C03  }
0x7e: {  	[timem:s3], [sflag:s2] =	dma.local @!p0 [hbm:s0], s1  }
0x7f: {  	s0 =	simm.s32 @!p0 $0x3  }
0x80: {  	_ =	swait.ge @!p0 [sflag:s0], s1  }
0x81: {  	s1 =	ssub.s32 @!p0 $0x0, s1;
	[sflag:s0] =	ssyncset.done @!p0 $0x0  }
0x82: {  	[sflag:s0] =	ssyncadd.s32 @!p0 s1  }
0x83: {  	[bflag:$0x3] =	sbarrier.arrive $0xFFFF  }
0x84: {  	_ =	shalt  }

</sc_bundles>
